<compile_context>
chip_gen: v7x
topology: tpu7x:2x2x1
jax: 0.10.2.dev20260603
libtpu: 0.0.44.dev20260713+nightly
codegen_flags: <defaults>
</compile_context>

<pallas_src>
import functools

import jax
import jax.numpy as jnp
from jax import lax
from jax.experimental import pallas as pl
from jax.experimental.pallas import tpu as pltpu
from jax.experimental.pallas import tpu_sc as plsc

KNN_K = 16
KNN_D = 2
NUM_EXTRACT = KNN_K * KNN_D - 1
B = 8
N = 2048
C = 64
ROWS = 1024

NUM_WORKERS = 32
PTS_PER_W = (B * N) // NUM_WORKERS
OUT_CH = 10
CHUNK_PTS = 128
CHUNK_F32 = CHUNK_PTS * KNN_K * OUT_CH


def _topk_body(xb_ref, xf_ref, idx_ref, dscr, xfbscr, sqfscr):
    xb = xb_ref[0]

    @pl.when(pl.program_id(1) == 0)
    def _():
        xf = xf_ref[0]
        xfbscr[...] = xf.astype(jnp.bfloat16)
        sqfscr[...] = lax.dot_general(jnp.ones((1, C), jnp.float32), xf * xf,
                                      (((1,), (1,)), ((), ())),
                                      preferred_element_type=jnp.float32,
                                      precision=lax.Precision.HIGHEST)

    sqb = jnp.sum(xb * xb, axis=1, keepdims=True)
    g = lax.dot_general(xb.astype(jnp.bfloat16), xfbscr[...],
                        (((1,), (1,)), ((), ())),
                        preferred_element_type=jnp.float32)
    dscr[...] = (sqb + (-2.0 * g)) + sqfscr[...]

    colid = lax.broadcasted_iota(jnp.int32, (ROWS, N), 1)
    lane16 = lax.broadcasted_iota(jnp.int32, (ROWS, KNN_K), 1)
    inf = jnp.float32(jnp.inf)

    def step(j, acc):
        dc = dscr[...]
        m = jnp.min(dc, axis=1, keepdims=True)
        am = jnp.min(jnp.where(dc == m, colid, N), axis=1, keepdims=True)
        dscr[...] = jnp.where(colid == am, inf, dc)
        keep = (j % 2 == 0) & (lane16 == (j // 2))
        return jnp.where(keep, am, acc)

    acc = lax.fori_loop(0, NUM_EXTRACT, step,
                        jnp.zeros((ROWS, KNN_K), jnp.int32))
    idx_ref[0] = acc


def _dilated_knn_idx(new_points):
    return pl.pallas_call(
        _topk_body,
        grid=(B, N // ROWS),
        in_specs=[
            pl.BlockSpec((1, ROWS, C), lambda b, r: (b, r, 0)),
            pl.BlockSpec((1, N, C), lambda b, r: (b, 0, 0)),
        ],
        out_specs=pl.BlockSpec((1, ROWS, KNN_K), lambda b, r: (b, r, 0)),
        out_shape=jax.ShapeDtypeStruct((B, N, KNN_K), jnp.int32),
        scratch_shapes=[pltpu.VMEM((ROWS, N), jnp.float32),
                        pltpu.VMEM((N, C), jnp.bfloat16),
                        pltpu.VMEM((1, N), jnp.float32)],
    )(new_points, new_points)


def _sqrt16(d2):
    bits = lax.bitcast_convert_type(d2, jnp.int32)
    y = lax.bitcast_convert_type(
        jnp.int32(0x5F3759DF) - (bits >> 1), jnp.float32)
    for _ in range(3):
        y = y * (1.5 - 0.5 * d2 * y * y)
    return jnp.where(d2 > 0.0, d2 * y, 0.0)


def _encode_body(xyz_ref, nn_ref, out_ref, tv, iv, ov):
    cid = lax.axis_index("c")
    sid = lax.axis_index("s")
    w = sid * 2 + cid
    pltpu.sync_copy(xyz_ref, tv)
    pltpu.sync_copy(nn_ref.at[pl.ds(w * (PTS_PER_W * KNN_K), PTS_PER_W * KNN_K)], iv)
    base = (w // (N // PTS_PER_W)) * N
    lanes = jnp.arange(16, dtype=jnp.int32)

    for sub in range(PTS_PER_W // CHUNK_PTS):
        def body(p2, carry):
            p_loc = sub * CHUNK_PTS + p2
            idx16 = iv[pl.ds(p_loc * KNN_K, KNN_K)]
            gi = (idx16 + base) * 3
            nx = plsc.load_gather(tv, [gi])
            ny = plsc.load_gather(tv, [gi + 1])
            nz = plsc.load_gather(tv, [gi + 2])
            pw = (w * PTS_PER_W + p_loc) * 3
            own_i = jnp.full((16,), pw, jnp.int32)
            ox = plsc.load_gather(tv, [own_i])
            oy = plsc.load_gather(tv, [own_i + 1])
            oz = plsc.load_gather(tv, [own_i + 2])
            rx = ox - nx
            ry = oy - ny
            rz = oz - nz
            dist = _sqrt16(rx * rx + ry * ry + rz * rz)
            offs = p2 * (KNN_K * OUT_CH) + lanes * OUT_CH
            plsc.store_scatter(ov, [offs], dist)
            plsc.store_scatter(ov, [offs + 1], rx)
            plsc.store_scatter(ov, [offs + 2], ry)
            plsc.store_scatter(ov, [offs + 3], rz)
            plsc.store_scatter(ov, [offs + 4], ox)
            plsc.store_scatter(ov, [offs + 5], oy)
            plsc.store_scatter(ov, [offs + 6], oz)
            plsc.store_scatter(ov, [offs + 7], nx)
            plsc.store_scatter(ov, [offs + 8], ny)
            plsc.store_scatter(ov, [offs + 9], nz)
            return carry

        lax.fori_loop(0, CHUNK_PTS, body, 0)
        pltpu.sync_copy(
            ov, out_ref.at[pl.ds(w * (PTS_PER_W * KNN_K * OUT_CH)
                                 + sub * CHUNK_F32, CHUNK_F32)])


def _relative_pos_encode(xyz_flat, nn_flat):
    mesh = plsc.VectorSubcoreMesh(core_axis_name="c", subcore_axis_name="s")
    run = functools.partial(
        pl.kernel,
        mesh=mesh,
        compiler_params=pltpu.CompilerParams(needs_layout_passes=False),
        out_type=jax.ShapeDtypeStruct((B * N * KNN_K * OUT_CH,), jnp.float32),
        scratch_types=[
            pltpu.VMEM((B * N * 3,), jnp.float32),
            pltpu.VMEM((PTS_PER_W * KNN_K,), jnp.int32),
            pltpu.VMEM((CHUNK_F32,), jnp.float32),
        ],
    )(_encode_body)
    return run(xyz_flat, nn_flat)


def kernel(new_xyz, new_points):
    nn_idx = _dilated_knn_idx(new_points)
    out = _relative_pos_encode(new_xyz.reshape(-1), nn_idx.reshape(-1))
    return out.reshape(B, N, KNN_K, OUT_CH)

# --- scband reference (transcript-rebuilt; emitter-appended) ---
"""Pipeline reference for scband-position-encode-69080253989611 (READ-ONLY COPY).

The authoritative reference and input builder live on the scoring server;
editing this copy changes nothing except your own understanding.
"""

import jax, jax.numpy as jnp
import numpy as np

K = 16
D = 2

def pairwise_distance(pc):
    # pc: [B, N, C] -> squared euclidean distance matrix [B, N, N]
    inner = -2.0 * jnp.matmul(pc, jnp.swapaxes(pc, 1, 2))
    sq = jnp.sum(pc ** 2, axis=-1, keepdims=True)
    return sq + inner + jnp.swapaxes(sq, 1, 2)

def dg_knn(adj, k, d):
    # dilated knn: take k*d nearest (smallest distance), then stride by d
    _, idx = jax.lax.top_k(-adj, k * d)
    return idx[:, :, ::d]

def index_points(points, idx):
    # points: [B, N, C], idx: [B, S, K] -> [B, S, K, C]
    B = points.shape[0]
    bi = jnp.arange(B)[:, None, None]
    return points[bi, idx]

def relative_pos_encoding(xyz, neigh_idx):
    neighbor_xyz = index_points(xyz, neigh_idx)
    xyz_tile = jnp.repeat(xyz[:, :, None, :], neigh_idx.shape[-1], axis=2)
    relative_xyz = xyz_tile - neighbor_xyz
    relative_dis = jnp.sqrt(jnp.sum(relative_xyz ** 2, axis=-1, keepdims=True))
    return jnp.concatenate([relative_dis, relative_xyz, xyz_tile, neighbor_xyz], axis=-1)

def setup_inputs(seed: int = 0):
    key = jax.random.key(seed)
    k1, k2 = jax.random.split(key)
    new_xyz = jax.random.normal(k1, (8, 2048, 3), dtype=jnp.float32)
    new_points = jax.random.normal(k2, (8, 2048, 64), dtype=jnp.float32)
    return {"new_xyz": new_xyz, "new_points": new_points}

def reference(new_xyz, new_points):
    adj = pairwise_distance(new_points)
    nn_idx = dg_knn(adj, K, D)
    return relative_pos_encoding(new_xyz, nn_idx)

if __name__ == "__main__":
    import jax
    _d = setup_inputs()
    print(jax.jit(kernel)(*tuple(_d.values())))

</pallas_src>

<mosaic_0001>
#map = affine_map<(d0, d1) -> (0)>
module attributes {stable_mosaic.version = 14 : i64} {
  func.func @_encode_body(%arg0: i32, %arg1: i32, %arg2: memref<49152xf32, #tpu.memory_space<hbm>>, %arg3: memref<262144xi32, #tpu.memory_space<hbm>>, %arg4: memref<2621440xf32, #tpu.memory_space<hbm>>, %arg5: memref<49152xf32, #tpu.memory_space<vmem>>, %arg6: memref<8192xi32, #tpu.memory_space<vmem>>, %arg7: memref<20480xf32, #tpu.memory_space<vmem>>) attributes {dimension_semantics = [#tpu.dimension_semantics<core_parallel>, #tpu.dimension_semantics<subcore_parallel>], iteration_bounds = array<i64: 2, 16>, scalar_prefetch = 0 : i64, scratch_operands = 3 : i64, tpu.core_type = #tpu.core_type<sc_vector_subcore>, window_params = [{transform_indices = #map}, {transform_indices = #map}, {transform_indices = #map}]} {
    %mul3A = arith.constant 2 : i32
    %mul3A_0 = arith.muli %arg1, %mul3A : i32
    %add3A = arith.addi %mul3A_0, %arg0 : i32
    "tpu.region"() ({
      %run_scoped3A = tpu.sem_alloc : memref<!tpu.dma_semaphore, #tpu.memory_space<semaphore_mem>>
      tpu.enqueue_dma source(%arg2 : memref<49152xf32, #tpu.memory_space<hbm>>) target(%arg5 : memref<49152xf32, #tpu.memory_space<vmem>>) target_semaphore(%run_scoped3A : memref<!tpu.dma_semaphore, #tpu.memory_space<semaphore_mem>>)
      tpu.wait_dma2 semaphore(%run_scoped3A : memref<!tpu.dma_semaphore, #tpu.memory_space<semaphore_mem>>) src(%arg2 : memref<49152xf32, #tpu.memory_space<hbm>>) dst(%arg5 : memref<49152xf32, #tpu.memory_space<vmem>>)
      tpu.yield
    }) : () -> ()
    %mul3A_1 = arith.constant 8192 : i32
    %mul3A_2 = arith.muli %add3A, %mul3A_1 : i32
    "tpu.region"() ({
      %run_scoped3A = tpu.sem_alloc : memref<!tpu.dma_semaphore, #tpu.memory_space<semaphore_mem>>
      %dma_start3A = tpu.memref_slice %arg3[%mul3A_2] : memref<262144xi32, #tpu.memory_space<hbm>> -> memref<8192xi32, #tpu.memory_space<hbm>>
      %dma_start3A_60 = tpu.memref_slice %arg3[%mul3A_2] : memref<262144xi32, #tpu.memory_space<hbm>> -> memref<8192xi32, #tpu.memory_space<hbm>>
      tpu.enqueue_dma source(%dma_start3A_60 : memref<8192xi32, #tpu.memory_space<hbm>>) target(%arg6 : memref<8192xi32, #tpu.memory_space<vmem>>) target_semaphore(%run_scoped3A : memref<!tpu.dma_semaphore, #tpu.memory_space<semaphore_mem>>)
      %dma_wait3A = tpu.memref_slice %arg3[%mul3A_2] : memref<262144xi32, #tpu.memory_space<hbm>> -> memref<8192xi32, #tpu.memory_space<hbm>>
      %dma_wait3A_61 = tpu.memref_slice %arg3[%mul3A_2] : memref<262144xi32, #tpu.memory_space<hbm>> -> memref<8192xi32, #tpu.memory_space<hbm>>
      tpu.wait_dma2 semaphore(%run_scoped3A : memref<!tpu.dma_semaphore, #tpu.memory_space<semaphore_mem>>) src(%dma_wait3A_61 : memref<8192xi32, #tpu.memory_space<hbm>>) dst(%arg6 : memref<8192xi32, #tpu.memory_space<vmem>>)
      tpu.yield
    }) : () -> ()
    %jit3A = arith.constant 4 : i32
    %div3A = arith.divsi %add3A, %jit3A : i32
    %sign3A = arith.constant 0 : i32
    %sign3A_3 = arith.cmpi sgt, %add3A, %sign3A : i32
    %sign3A_4 = arith.extui %sign3A_3 : i1 to i32
    %sign3A_5 = arith.constant 0 : i32
    %sign3A_6 = arith.cmpi slt, %add3A, %sign3A_5 : i32
    %sign3A_7 = arith.extui %sign3A_6 : i1 to i32
    %sign3A_8 = arith.subi %sign3A_4, %sign3A_7 : i32
    %sign3A_9 = arith.constant 0 : i32
    %sign3A_10 = arith.cmpi sgt, %jit3A, %sign3A_9 : i32
    %sign3A_11 = arith.extui %sign3A_10 : i1 to i32
    %sign3A_12 = arith.constant 0 : i32
    %sign3A_13 = arith.cmpi slt, %jit3A, %sign3A_12 : i32
    %sign3A_14 = arith.extui %sign3A_13 : i1 to i32
    %sign3A_15 = arith.subi %sign3A_11, %sign3A_14 : i32
    %ne3A = arith.cmpi ne, %sign3A_8, %sign3A_15 : i32
    %rem3A = arith.remsi %add3A, %jit3A : i32
    %ne3A_16 = arith.constant 0 : i32
    %ne3A_17 = arith.cmpi ne, %rem3A, %ne3A_16 : i32
    %and3A = arith.andi %ne3A, %ne3A_17 : i1
    %sub3A = arith.constant 1 : i32
    %sub3A_18 = arith.subi %div3A, %sub3A : i32
    %select_n3A = arith.select %and3A, %sub3A_18, %div3A : i32
    %mul3A_19 = arith.constant 2048 : i32
    %mul3A_20 = arith.muli %select_n3A, %mul3A_19 : i32
    %iota3A = tpu.iota {dimensions = array<i32: 0>} : vector<16xi32>
    %scan3A = arith.constant 0 : i32
    %scan3A_21 = arith.constant 0 : i32
    %scan3A_22 = arith.constant 128 : i32
    %scan3A_23 = arith.addi %scan3A_21, %scan3A_22 : i32
    %scan3A_24 = arith.constant 1 : i32
    scf.for %scan3A_60 = %scan3A_21 to %scan3A_23 step %scan3A_24  : i32 {
      %add3A_61 = arith.constant 0 : i32
      %add3A_62 = arith.addi %add3A_61, %scan3A_60 : i32
      %mul3A_63 = arith.constant 16 : i32
      %mul3A_64 = arith.muli %add3A_62, %mul3A_63 : i32
      %get3A = arith.index_cast %mul3A_64 : i32 to index
      %get3A_65 = tpu.vector_load %arg6[%get3A] {strides = array<i32>} : memref<8192xi32, #tpu.memory_space<vmem>>, vector<16xi32>,
      %add3A_66 = vector.broadcast %mul3A_20 : i32 to vector<16xi32>
      %add3A_67 = arith.addi %get3A_65, %add3A_66 : vector<16xi32>
      %mul3A_68 = arith.constant 3 : i32
      %mul3A_69 = vector.broadcast %mul3A_68 : i32 to vector<16xi32>
      %mul3A_70 = arith.muli %add3A_67, %mul3A_69 : vector<16xi32>
      %gather3A = tpu.vector_load_idx %arg5[%mul3A_70] : memref<49152xf32, #tpu.memory_space<vmem>>[vector<16xi32>], vector<16xf32>,
      %add3A_71 = arith.constant 1 : i32
      %add3A_72 = vector.broadcast %add3A_71 : i32 to vector<16xi32>
      %add3A_73 = arith.addi %mul3A_70, %add3A_72 : vector<16xi32>
      %gather3A_74 = tpu.vector_load_idx %arg5[%add3A_73] : memref<49152xf32, #tpu.memory_space<vmem>>[vector<16xi32>], vector<16xf32>,
      %add3A_75 = arith.constant 2 : i32
      %add3A_76 = vector.broadcast %add3A_75 : i32 to vector<16xi32>
      %add3A_77 = arith.addi %mul3A_70, %add3A_76 : vector<16xi32>
      %gather3A_78 = tpu.vector_load_idx %arg5[%add3A_77] : memref<49152xf32, #tpu.memory_space<vmem>>[vector<16xi32>], vector<16xf32>,
      %mul3A_79 = arith.constant 512 : i32
      %mul3A_80 = arith.muli %add3A, %mul3A_79 : i32
      %add3A_81 = arith.addi %mul3A_80, %add3A_62 : i32
      %mul3A_82 = arith.constant 3 : i32
      %mul3A_83 = arith.muli %add3A_81, %mul3A_82 : i32
      %broadcast_in_dim3A = vector.broadcast %mul3A_83 : i32 to vector<16xi32>
      %gather3A_84 = tpu.vector_load_idx %arg5[%broadcast_in_dim3A] : memref<49152xf32, #tpu.memory_space<vmem>>[vector<16xi32>], vector<16xf32>,
      %add3A_85 = arith.constant 1 : i32
      %add3A_86 = vector.broadcast %add3A_85 : i32 to vector<16xi32>
      %add3A_87 = arith.addi %broadcast_in_dim3A, %add3A_86 : vector<16xi32>
      %gather3A_88 = tpu.vector_load_idx %arg5[%add3A_87] : memref<49152xf32, #tpu.memory_space<vmem>>[vector<16xi32>], vector<16xf32>,
      %add3A_89 = arith.constant 2 : i32
      %add3A_90 = vector.broadcast %add3A_89 : i32 to vector<16xi32>
      %add3A_91 = arith.addi %broadcast_in_dim3A, %add3A_90 : vector<16xi32>
      %gather3A_92 = tpu.vector_load_idx %arg5[%add3A_91] : memref<49152xf32, #tpu.memory_space<vmem>>[vector<16xi32>], vector<16xf32>,
      %sub3A_93 = arith.subf %gather3A_84, %gather3A : vector<16xf32>
      %sub3A_94 = arith.subf %gather3A_88, %gather3A_74 : vector<16xf32>
      %sub3A_95 = arith.subf %gather3A_92, %gather3A_78 : vector<16xf32>
      %mul3A_96 = arith.mulf %sub3A_93, %sub3A_93 : vector<16xf32>
      %mul3A_97 = arith.mulf %sub3A_94, %sub3A_94 : vector<16xf32>
      %add3A_98 = arith.addf %mul3A_96, %mul3A_97 : vector<16xf32>
      %mul3A_99 = arith.mulf %sub3A_95, %sub3A_95 : vector<16xf32>
      %add3A_100 = arith.addf %add3A_98, %mul3A_99 : vector<16xf32>
      %bitcast_convert_type3A = tpu.bitcast %add3A_100 : vector<16xf32> -> vector<16xi32>
      %shift_right_arithmetic3A = arith.constant 1 : i32
      %shift_right_arithmetic3A_101 = vector.broadcast %shift_right_arithmetic3A : i32 to vector<16xi32>
      %shift_right_arithmetic3A_102 = arith.shrsi %bitcast_convert_type3A, %shift_right_arithmetic3A_101 : vector<16xi32>
      %sub3A_103 = arith.constant 1597463007 : i32
      %sub3A_104 = vector.broadcast %sub3A_103 : i32 to vector<16xi32>
      %sub3A_105 = arith.subi %sub3A_104, %shift_right_arithmetic3A_102 : vector<16xi32>
      %bitcast_convert_type3A_106 = tpu.bitcast %sub3A_105 : vector<16xi32> -> vector<16xf32>
      %mul3A_107 = arith.constant 5.000000e-01 : f32
      %mul3A_108 = vector.broadcast %mul3A_107 : f32 to vector<16xf32>
      %mul3A_109 = arith.mulf %mul3A_108, %add3A_100 : vector<16xf32>
      %mul3A_110 = arith.mulf %mul3A_109, %bitcast_convert_type3A_106 : vector<16xf32>
      %mul3A_111 = arith.mulf %mul3A_110, %bitcast_convert_type3A_106 : vector<16xf32>
      %sub3A_112 = arith.constant 1.500000e+00 : f32
      %sub3A_113 = vector.broadcast %sub3A_112 : f32 to vector<16xf32>
      %sub3A_114 = arith.subf %sub3A_113, %mul3A_111 : vector<16xf32>
      %mul3A_115 = arith.mulf %bitcast_convert_type3A_106, %sub3A_114 : vector<16xf32>
      %mul3A_116 = arith.constant 5.000000e-01 : f32
      %mul3A_117 = vector.broadcast %mul3A_116 : f32 to vector<16xf32>
      %mul3A_118 = arith.mulf %mul3A_117, %add3A_100 : vector<16xf32>
      %mul3A_119 = arith.mulf %mul3A_118, %mul3A_115 : vector<16xf32>
      %mul3A_120 = arith.mulf %mul3A_119, %mul3A_115 : vector<16xf32>
      %sub3A_121 = arith.constant 1.500000e+00 : f32
      %sub3A_122 = vector.broadcast %sub3A_121 : f32 to vector<16xf32>
      %sub3A_123 = arith.subf %sub3A_122, %mul3A_120 : vector<16xf32>
      %mul3A_124 = arith.mulf %mul3A_115, %sub3A_123 : vector<16xf32>
      %mul3A_125 = arith.constant 5.000000e-01 : f32
      %mul3A_126 = vector.broadcast %mul3A_125 : f32 to vector<16xf32>
      %mul3A_127 = arith.mulf %mul3A_126, %add3A_100 : vector<16xf32>
      %mul3A_128 = arith.mulf %mul3A_127, %mul3A_124 : vector<16xf32>
      %mul3A_129 = arith.mulf %mul3A_128, %mul3A_124 : vector<16xf32>
      %sub3A_130 = arith.constant 1.500000e+00 : f32
      %sub3A_131 = vector.broadcast %sub3A_130 : f32 to vector<16xf32>
      %sub3A_132 = arith.subf %sub3A_131, %mul3A_129 : vector<16xf32>
      %mul3A_133 = arith.mulf %mul3A_124, %sub3A_132 : vector<16xf32>
      %gt3A = arith.constant 0.000000e+00 : f32
      %gt3A_134 = vector.broadcast %gt3A : f32 to vector<16xf32>
      %gt3A_135 = arith.cmpf ogt, %add3A_100, %gt3A_134 : vector<16xf32>
      %mul3A_136 = arith.mulf %add3A_100, %mul3A_133 : vector<16xf32>
      %jit3A_137 = arith.constant 0.000000e+00 : f32
      %broadcast_in_dim3A_138 = vector.broadcast %jit3A_137 : f32 to vector<16xf32>
      %select_n3A_139 = arith.select %gt3A_135, %mul3A_136, %broadcast_in_dim3A_138 : vector<16xi1>, vector<16xf32>
      %mul3A_140 = arith.constant 160 : i32
      %mul3A_141 = arith.muli %scan3A_60, %mul3A_140 : i32
      %mul3A_142 = arith.constant 10 : i32
      %mul3A_143 = vector.broadcast %mul3A_142 : i32 to vector<16xi32>
      %mul3A_144 = arith.muli %iota3A, %mul3A_143 : vector<16xi32>
      %add3A_145 = vector.broadcast %mul3A_141 : i32 to vector<16xi32>
      %add3A_146 = arith.addi %add3A_145, %mul3A_144 : vector<16xi32>
      tpu.vector_store_idx %arg7[%add3A_146], %select_n3A_139 : memref<20480xf32, #tpu.memory_space<vmem>>[vector<16xi32>], vector<16xf32>,
      %add3A_147 = arith.constant 1 : i32
      %add3A_148 = vector.broadcast %add3A_147 : i32 to vector<16xi32>
      %add3A_149 = arith.addi %add3A_146, %add3A_148 : vector<16xi32>
      tpu.vector_store_idx %arg7[%add3A_149], %sub3A_93 : memref<20480xf32, #tpu.memory_space<vmem>>[vector<16xi32>], vector<16xf32>,
      %add3A_150 = arith.constant 2 : i32
      %add3A_151 = vector.broadcast %add3A_150 : i32 to vector<16xi32>
      %add3A_152 = arith.addi %add3A_146, %add3A_151 : vector<16xi32>
      tpu.vector_store_idx %arg7[%add3A_152], %sub3A_94 : memref<20480xf32, #tpu.memory_space<vmem>>[vector<16xi32>], vector<16xf32>,
      %add3A_153 = arith.constant 3 : i32
      %add3A_154 = vector.broadcast %add3A_153 : i32 to vector<16xi32>
      %add3A_155 = arith.addi %add3A_146, %add3A_154 : vector<16xi32>
      tpu.vector_store_idx %arg7[%add3A_155], %sub3A_95 : memref<20480xf32, #tpu.memory_space<vmem>>[vector<16xi32>], vector<16xf32>,
      %add3A_156 = arith.constant 4 : i32
      %add3A_157 = vector.broadcast %add3A_156 : i32 to vector<16xi32>
      %add3A_158 = arith.addi %add3A_146, %add3A_157 : vector<16xi32>
      tpu.vector_store_idx %arg7[%add3A_158], %gather3A_84 : memref<20480xf32, #tpu.memory_space<vmem>>[vector<16xi32>], vector<16xf32>,
      %add3A_159 = arith.constant 5 : i32
      %add3A_160 = vector.broadcast %add3A_159 : i32 to vector<16xi32>
      %add3A_161 = arith.addi %add3A_146, %add3A_160 : vector<16xi32>
      tpu.vector_store_idx %arg7[%add3A_161], %gather3A_88 : memref<20480xf32, #tpu.memory_space<vmem>>[vector<16xi32>], vector<16xf32>,
      %add3A_162 = arith.constant 6 : i32
      %add3A_163 = vector.broadcast %add3A_162 : i32 to vector<16xi32>
      %add3A_164 = arith.addi %add3A_146, %add3A_163 : vector<16xi32>
      tpu.vector_store_idx %arg7[%add3A_164], %gather3A_92 : memref<20480xf32, #tpu.memory_space<vmem>>[vector<16xi32>], vector<16xf32>,
      %add3A_165 = arith.constant 7 : i32
      %add3A_166 = vector.broadcast %add3A_165 : i32 to vector<16xi32>
      %add3A_167 = arith.addi %add3A_146, %add3A_166 : vector<16xi32>
      tpu.vector_store_idx %arg7[%add3A_167], %gather3A : memref<20480xf32, #tpu.memory_space<vmem>>[vector<16xi32>], vector<16xf32>,
      %add3A_168 = arith.constant 8 : i32
      %add3A_169 = vector.broadcast %add3A_168 : i32 to vector<16xi32>
      %add3A_170 = arith.addi %add3A_146, %add3A_169 : vector<16xi32>
      tpu.vector_store_idx %arg7[%add3A_170], %gather3A_74 : memref<20480xf32, #tpu.memory_space<vmem>>[vector<16xi32>], vector<16xf32>,
      %add3A_171 = arith.constant 9 : i32
      %add3A_172 = vector.broadcast %add3A_171 : i32 to vector<16xi32>
      %add3A_173 = arith.addi %add3A_146, %add3A_172 : vector<16xi32>
      tpu.vector_store_idx %arg7[%add3A_173], %gather3A_78 : memref<20480xf32, #tpu.memory_space<vmem>>[vector<16xi32>], vector<16xf32>,
    }
    %scan3A_25 = arith.constant 128 : i32
    %mul3A_26 = arith.constant 81920 : i32
    %mul3A_27 = arith.muli %add3A, %mul3A_26 : i32
    %add3A_28 = arith.constant 0 : i32
    %add3A_29 = arith.addi %mul3A_27, %add3A_28 : i32
    "tpu.region"() ({
      %run_scoped3A = tpu.sem_alloc : memref<!tpu.dma_semaphore, #tpu.memory_space<semaphore_mem>>
      %dma_start3A = tpu.memref_slice %arg4[%add3A_29] : memref<2621440xf32, #tpu.memory_space<hbm>> -> memref<20480xf32, #tpu.memory_space<hbm>>
      %dma_start3A_60 = tpu.memref_slice %arg4[%add3A_29] : memref<2621440xf32, #tpu.memory_space<hbm>> -> memref<20480xf32, #tpu.memory_space<hbm>>
      tpu.enqueue_dma source(%arg7 : memref<20480xf32, #tpu.memory_space<vmem>>) target(%dma_start3A_60 : memref<20480xf32, #tpu.memory_space<hbm>>) target_semaphore(%run_scoped3A : memref<!tpu.dma_semaphore, #tpu.memory_space<semaphore_mem>>)
      %dma_wait3A = tpu.memref_slice %arg4[%add3A_29] : memref<2621440xf32, #tpu.memory_space<hbm>> -> memref<20480xf32, #tpu.memory_space<hbm>>
      %dma_wait3A_61 = tpu.memref_slice %arg4[%add3A_29] : memref<2621440xf32, #tpu.memory_space<hbm>> -> memref<20480xf32, #tpu.memory_space<hbm>>
      tpu.wait_dma2 semaphore(%run_scoped3A : memref<!tpu.dma_semaphore, #tpu.memory_space<semaphore_mem>>) src(%arg7 : memref<20480xf32, #tpu.memory_space<vmem>>) dst(%dma_wait3A_61 : memref<20480xf32, #tpu.memory_space<hbm>>)
      tpu.yield
    }) : () -> ()
    %scan3A_30 = arith.constant 0 : i32
    %scan3A_31 = arith.constant 0 : i32
    %scan3A_32 = arith.constant 128 : i32
    %scan3A_33 = arith.addi %scan3A_31, %scan3A_32 : i32
    %scan3A_34 = arith.constant 1 : i32
    scf.for %scan3A_60 = %scan3A_31 to %scan3A_33 step %scan3A_34  : i32 {
      %add3A_61 = arith.constant 128 : i32
      %add3A_62 = arith.addi %add3A_61, %scan3A_60 : i32
      %mul3A_63 = arith.constant 16 : i32
      %mul3A_64 = arith.muli %add3A_62, %mul3A_63 : i32
      %get3A = arith.index_cast %mul3A_64 : i32 to index
      %get3A_65 = tpu.vector_load %arg6[%get3A] {strides = array<i32>} : memref<8192xi32, #tpu.memory_space<vmem>>, vector<16xi32>,
      %add3A_66 = vector.broadcast %mul3A_20 : i32 to vector<16xi32>
      %add3A_67 = arith.addi %get3A_65, %add3A_66 : vector<16xi32>
      %mul3A_68 = arith.constant 3 : i32
      %mul3A_69 = vector.broadcast %mul3A_68 : i32 to vector<16xi32>
      %mul3A_70 = arith.muli %add3A_67, %mul3A_69 : vector<16xi32>
      %gather3A = tpu.vector_load_idx %arg5[%mul3A_70] : memref<49152xf32, #tpu.memory_space<vmem>>[vector<16xi32>], vector<16xf32>,
      %add3A_71 = arith.constant 1 : i32
      %add3A_72 = vector.broadcast %add3A_71 : i32 to vector<16xi32>
      %add3A_73 = arith.addi %mul3A_70, %add3A_72 : vector<16xi32>
      %gather3A_74 = tpu.vector_load_idx %arg5[%add3A_73] : memref<49152xf32, #tpu.memory_space<vmem>>[vector<16xi32>], vector<16xf32>,
      %add3A_75 = arith.constant 2 : i32
      %add3A_76 = vector.broadcast %add3A_75 : i32 to vector<16xi32>
      %add3A_77 = arith.addi %mul3A_70, %add3A_76 : vector<16xi32>
      %gather3A_78 = tpu.vector_load_idx %arg5[%add3A_77] : memref<49152xf32, #tpu.memory_space<vmem>>[vector<16xi32>], vector<16xf32>,
      %mul3A_79 = arith.constant 512 : i32
      %mul3A_80 = arith.muli %add3A, %mul3A_79 : i32
      %add3A_81 = arith.addi %mul3A_80, %add3A_62 : i32
      %mul3A_82 = arith.constant 3 : i32
      %mul3A_83 = arith.muli %add3A_81, %mul3A_82 : i32
      %broadcast_in_dim3A = vector.broadcast %mul3A_83 : i32 to vector<16xi32>
      %gather3A_84 = tpu.vector_load_idx %arg5[%broadcast_in_dim3A] : memref<49152xf32, #tpu.memory_space<vmem>>[vector<16xi32>], vector<16xf32>,
      %add3A_85 = arith.constant 1 : i32
      %add3A_86 = vector.broadcast %add3A_85 : i32 to vector<16xi32>
      %add3A_87 = arith.addi %broadcast_in_dim3A, %add3A_86 : vector<16xi32>
      %gather3A_88 = tpu.vector_load_idx %arg5[%add3A_87] : memref<49152xf32, #tpu.memory_space<vmem>>[vector<16xi32>], vector<16xf32>,
      %add3A_89 = arith.constant 2 : i32
      %add3A_90 = vector.broadcast %add3A_89 : i32 to vector<16xi32>
      %add3A_91 = arith.addi %broadcast_in_dim3A, %add3A_90 : vector<16xi32>
      %gather3A_92 = tpu.vector_load_idx %arg5[%add3A_91] : memref<49152xf32, #tpu.memory_space<vmem>>[vector<16xi32>], vector<16xf32>,
      %sub3A_93 = arith.subf %gather3A_84, %gather3A : vector<16xf32>
      %sub3A_94 = arith.subf %gather3A_88, %gather3A_74 : vector<16xf32>
      %sub3A_95 = arith.subf %gather3A_92, %gather3A_78 : vector<16xf32>
      %mul3A_96 = arith.mulf %sub3A_93, %sub3A_93 : vector<16xf32>
      %mul3A_97 = arith.mulf %sub3A_94, %sub3A_94 : vector<16xf32>
      %add3A_98 = arith.addf %mul3A_96, %mul3A_97 : vector<16xf32>
      %mul3A_99 = arith.mulf %sub3A_95, %sub3A_95 : vector<16xf32>
      %add3A_100 = arith.addf %add3A_98, %mul3A_99 : vector<16xf32>
      %bitcast_convert_type3A = tpu.bitcast %add3A_100 : vector<16xf32> -> vector<16xi32>
      %shift_right_arithmetic3A = arith.constant 1 : i32
      %shift_right_arithmetic3A_101 = vector.broadcast %shift_right_arithmetic3A : i32 to vector<16xi32>
      %shift_right_arithmetic3A_102 = arith.shrsi %bitcast_convert_type3A, %shift_right_arithmetic3A_101 : vector<16xi32>
      %sub3A_103 = arith.constant 1597463007 : i32
      %sub3A_104 = vector.broadcast %sub3A_103 : i32 to vector<16xi32>
      %sub3A_105 = arith.subi %sub3A_104, %shift_right_arithmetic3A_102 : vector<16xi32>
      %bitcast_convert_type3A_106 = tpu.bitcast %sub3A_105 : vector<16xi32> -> vector<16xf32>
      %mul3A_107 = arith.constant 5.000000e-01 : f32
      %mul3A_108 = vector.broadcast %mul3A_107 : f32 to vector<16xf32>
      %mul3A_109 = arith.mulf %mul3A_108, %add3A_100 : vector<16xf32>
      %mul3A_110 = arith.mulf %mul3A_109, %bitcast_convert_type3A_106 : vector<16xf32>
      %mul3A_111 = arith.mulf %mul3A_110, %bitcast_convert_type3A_106 : vector<16xf32>
      %sub3A_112 = arith.constant 1.500000e+00 : f32
      %sub3A_113 = vector.broadcast %sub3A_112 : f32 to vector<16xf32>
      %sub3A_114 = arith.subf %sub3A_113, %mul3A_111 : vector<16xf32>
      %mul3A_115 = arith.mulf %bitcast_convert_type3A_106, %sub3A_114 : vector<16xf32>
      %mul3A_116 = arith.constant 5.000000e-01 : f32
      %mul3A_117 = vector.broadcast %mul3A_116 : f32 to vector<16xf32>
      %mul3A_118 = arith.mulf %mul3A_117, %add3A_100 : vector<16xf32>
      %mul3A_119 = arith.mulf %mul3A_118, %mul3A_115 : vector<16xf32>
      %mul3A_120 = arith.mulf %mul3A_119, %mul3A_115 : vector<16xf32>
      %sub3A_121 = arith.constant 1.500000e+00 : f32
      %sub3A_122 = vector.broadcast %sub3A_121 : f32 to vector<16xf32>
      %sub3A_123 = arith.subf %sub3A_122, %mul3A_120 : vector<16xf32>
      %mul3A_124 = arith.mulf %mul3A_115, %sub3A_123 : vector<16xf32>
      %mul3A_125 = arith.constant 5.000000e-01 : f32
      %mul3A_126 = vector.broadcast %mul3A_125 : f32 to vector<16xf32>
      %mul3A_127 = arith.mulf %mul3A_126, %add3A_100 : vector<16xf32>
      %mul3A_128 = arith.mulf %mul3A_127, %mul3A_124 : vector<16xf32>
      %mul3A_129 = arith.mulf %mul3A_128, %mul3A_124 : vector<16xf32>
      %sub3A_130 = arith.constant 1.500000e+00 : f32
      %sub3A_131 = vector.broadcast %sub3A_130 : f32 to vector<16xf32>
      %sub3A_132 = arith.subf %sub3A_131, %mul3A_129 : vector<16xf32>
      %mul3A_133 = arith.mulf %mul3A_124, %sub3A_132 : vector<16xf32>
      %gt3A = arith.constant 0.000000e+00 : f32
      %gt3A_134 = vector.broadcast %gt3A : f32 to vector<16xf32>
      %gt3A_135 = arith.cmpf ogt, %add3A_100, %gt3A_134 : vector<16xf32>
      %mul3A_136 = arith.mulf %add3A_100, %mul3A_133 : vector<16xf32>
      %jit3A_137 = arith.constant 0.000000e+00 : f32
      %broadcast_in_dim3A_138 = vector.broadcast %jit3A_137 : f32 to vector<16xf32>
      %select_n3A_139 = arith.select %gt3A_135, %mul3A_136, %broadcast_in_dim3A_138 : vector<16xi1>, vector<16xf32>
      %mul3A_140 = arith.constant 160 : i32
      %mul3A_141 = arith.muli %scan3A_60, %mul3A_140 : i32
      %mul3A_142 = arith.constant 10 : i32
      %mul3A_143 = vector.broadcast %mul3A_142 : i32 to vector<16xi32>
      %mul3A_144 = arith.muli %iota3A, %mul3A_143 : vector<16xi32>
      %add3A_145 = vector.broadcast %mul3A_141 : i32 to vector<16xi32>
      %add3A_146 = arith.addi %add3A_145, %mul3A_144 : vector<16xi32>
      tpu.vector_store_idx %arg7[%add3A_146], %select_n3A_139 : memref<20480xf32, #tpu.memory_space<vmem>>[vector<16xi32>], vector<16xf32>,
      %add3A_147 = arith.constant 1 : i32
      %add3A_148 = vector.broadcast %add3A_147 : i32 to vector<16xi32>
      %add3A_149 = arith.addi %add3A_146, %add3A_148 : vector<16xi32>
      tpu.vector_store_idx %arg7[%add3A_149], %sub3A_93 : memref<20480xf32, #tpu.memory_space<vmem>>[vector<16xi32>], vector<16xf32>,
      %add3A_150 = arith.constant 2 : i32
      %add3A_151 = vector.broadcast %add3A_150 : i32 to vector<16xi32>
      %add3A_152 = arith.addi %add3A_146, %add3A_151 : vector<16xi32>
      tpu.vector_store_idx %arg7[%add3A_152], %sub3A_94 : memref<20480xf32, #tpu.memory_space<vmem>>[vector<16xi32>], vector<16xf32>,
      %add3A_153 = arith.constant 3 : i32
      %add3A_154 = vector.broadcast %add3A_153 : i32 to vector<16xi32>
      %add3A_155 = arith.addi %add3A_146, %add3A_154 : vector<16xi32>
      tpu.vector_store_idx %arg7[%add3A_155], %sub3A_95 : memref<20480xf32, #tpu.memory_space<vmem>>[vector<16xi32>], vector<16xf32>,
      %add3A_156 = arith.constant 4 : i32
      %add3A_157 = vector.broadcast %add3A_156 : i32 to vector<16xi32>
      %add3A_158 = arith.addi %add3A_146, %add3A_157 : vector<16xi32>
      tpu.vector_store_idx %arg7[%add3A_158], %gather3A_84 : memref<20480xf32, #tpu.memory_space<vmem>>[vector<16xi32>], vector<16xf32>,
      %add3A_159 = arith.constant 5 : i32
      %add3A_160 = vector.broadcast %add3A_159 : i32 to vector<16xi32>
      %add3A_161 = arith.addi %add3A_146, %add3A_160 : vector<16xi32>
      tpu.vector_store_idx %arg7[%add3A_161], %gather3A_88 : memref<20480xf32, #tpu.memory_space<vmem>>[vector<16xi32>], vector<16xf32>,
      %add3A_162 = arith.constant 6 : i32
      %add3A_163 = vector.broadcast %add3A_162 : i32 to vector<16xi32>
      %add3A_164 = arith.addi %add3A_146, %add3A_163 : vector<16xi32>
      tpu.vector_store_idx %arg7[%add3A_164], %gather3A_92 : memref<20480xf32, #tpu.memory_space<vmem>>[vector<16xi32>], vector<16xf32>,
      %add3A_165 = arith.constant 7 : i32
      %add3A_166 = vector.broadcast %add3A_165 : i32 to vector<16xi32>
      %add3A_167 = arith.addi %add3A_146, %add3A_166 : vector<16xi32>
      tpu.vector_store_idx %arg7[%add3A_167], %gather3A : memref<20480xf32, #tpu.memory_space<vmem>>[vector<16xi32>], vector<16xf32>,
      %add3A_168 = arith.constant 8 : i32
      %add3A_169 = vector.broadcast %add3A_168 : i32 to vector<16xi32>
      %add3A_170 = arith.addi %add3A_146, %add3A_169 : vector<16xi32>
      tpu.vector_store_idx %arg7[%add3A_170], %gather3A_74 : memref<20480xf32, #tpu.memory_space<vmem>>[vector<16xi32>], vector<16xf32>,
      %add3A_171 = arith.constant 9 : i32
      %add3A_172 = vector.broadcast %add3A_171 : i32 to vector<16xi32>
      %add3A_173 = arith.addi %add3A_146, %add3A_172 : vector<16xi32>
      tpu.vector_store_idx %arg7[%add3A_173], %gather3A_78 : memref<20480xf32, #tpu.memory_space<vmem>>[vector<16xi32>], vector<16xf32>,
    }
    %scan3A_35 = arith.constant 128 : i32
    %mul3A_36 = arith.constant 81920 : i32
    %mul3A_37 = arith.muli %add3A, %mul3A_36 : i32
    %add3A_38 = arith.constant 20480 : i32
    %add3A_39 = arith.addi %mul3A_37, %add3A_38 : i32
    "tpu.region"() ({
      %run_scoped3A = tpu.sem_alloc : memref<!tpu.dma_semaphore, #tpu.memory_space<semaphore_mem>>
      %dma_start3A = tpu.memref_slice %arg4[%add3A_39] : memref<2621440xf32, #tpu.memory_space<hbm>> -> memref<20480xf32, #tpu.memory_space<hbm>>
      %dma_start3A_60 = tpu.memref_slice %arg4[%add3A_39] : memref<2621440xf32, #tpu.memory_space<hbm>> -> memref<20480xf32, #tpu.memory_space<hbm>>
      tpu.enqueue_dma source(%arg7 : memref<20480xf32, #tpu.memory_space<vmem>>) target(%dma_start3A_60 : memref<20480xf32, #tpu.memory_space<hbm>>) target_semaphore(%run_scoped3A : memref<!tpu.dma_semaphore, #tpu.memory_space<semaphore_mem>>)
      %dma_wait3A = tpu.memref_slice %arg4[%add3A_39] : memref<2621440xf32, #tpu.memory_space<hbm>> -> memref<20480xf32, #tpu.memory_space<hbm>>
      %dma_wait3A_61 = tpu.memref_slice %arg4[%add3A_39] : memref<2621440xf32, #tpu.memory_space<hbm>> -> memref<20480xf32, #tpu.memory_space<hbm>>
      tpu.wait_dma2 semaphore(%run_scoped3A : memref<!tpu.dma_semaphore, #tpu.memory_space<semaphore_mem>>) src(%arg7 : memref<20480xf32, #tpu.memory_space<vmem>>) dst(%dma_wait3A_61 : memref<20480xf32, #tpu.memory_space<hbm>>)
      tpu.yield
    }) : () -> ()
    %scan3A_40 = arith.constant 0 : i32
    %scan3A_41 = arith.constant 0 : i32
    %scan3A_42 = arith.constant 128 : i32
    %scan3A_43 = arith.addi %scan3A_41, %scan3A_42 : i32
    %scan3A_44 = arith.constant 1 : i32
    scf.for %scan3A_60 = %scan3A_41 to %scan3A_43 step %scan3A_44  : i32 {
      %add3A_61 = arith.constant 256 : i32
      %add3A_62 = arith.addi %add3A_61, %scan3A_60 : i32
      %mul3A_63 = arith.constant 16 : i32
      %mul3A_64 = arith.muli %add3A_62, %mul3A_63 : i32
      %get3A = arith.index_cast %mul3A_64 : i32 to index
      %get3A_65 = tpu.vector_load %arg6[%get3A] {strides = array<i32>} : memref<8192xi32, #tpu.memory_space<vmem>>, vector<16xi32>,
      %add3A_66 = vector.broadcast %mul3A_20 : i32 to vector<16xi32>
      %add3A_67 = arith.addi %get3A_65, %add3A_66 : vector<16xi32>
      %mul3A_68 = arith.constant 3 : i32
      %mul3A_69 = vector.broadcast %mul3A_68 : i32 to vector<16xi32>
      %mul3A_70 = arith.muli %add3A_67, %mul3A_69 : vector<16xi32>
      %gather3A = tpu.vector_load_idx %arg5[%mul3A_70] : memref<49152xf32, #tpu.memory_space<vmem>>[vector<16xi32>], vector<16xf32>,
      %add3A_71 = arith.constant 1 : i32
      %add3A_72 = vector.broadcast %add3A_71 : i32 to vector<16xi32>
      %add3A_73 = arith.addi %mul3A_70, %add3A_72 : vector<16xi32>
      %gather3A_74 = tpu.vector_load_idx %arg5[%add3A_73] : memref<49152xf32, #tpu.memory_space<vmem>>[vector<16xi32>], vector<16xf32>,
      %add3A_75 = arith.constant 2 : i32
      %add3A_76 = vector.broadcast %add3A_75 : i32 to vector<16xi32>
      %add3A_77 = arith.addi %mul3A_70, %add3A_76 : vector<16xi32>
      %gather3A_78 = tpu.vector_load_idx %arg5[%add3A_77] : memref<49152xf32, #tpu.memory_space<vmem>>[vector<16xi32>], vector<16xf32>,
      %mul3A_79 = arith.constant 512 : i32
      %mul3A_80 = arith.muli %add3A, %mul3A_79 : i32
      %add3A_81 = arith.addi %mul3A_80, %add3A_62 : i32
      %mul3A_82 = arith.constant 3 : i32
      %mul3A_83 = arith.muli %add3A_81, %mul3A_82 : i32
      %broadcast_in_dim3A = vector.broadcast %mul3A_83 : i32 to vector<16xi32>
      %gather3A_84 = tpu.vector_load_idx %arg5[%broadcast_in_dim3A] : memref<49152xf32, #tpu.memory_space<vmem>>[vector<16xi32>], vector<16xf32>,
      %add3A_85 = arith.constant 1 : i32
      %add3A_86 = vector.broadcast %add3A_85 : i32 to vector<16xi32>
      %add3A_87 = arith.addi %broadcast_in_dim3A, %add3A_86 : vector<16xi32>
      %gather3A_88 = tpu.vector_load_idx %arg5[%add3A_87] : memref<49152xf32, #tpu.memory_space<vmem>>[vector<16xi32>], vector<16xf32>,
      %add3A_89 = arith.constant 2 : i32
      %add3A_90 = vector.broadcast %add3A_89 : i32 to vector<16xi32>
      %add3A_91 = arith.addi %broadcast_in_dim3A, %add3A_90 : vector<16xi32>
      %gather3A_92 = tpu.vector_load_idx %arg5[%add3A_91] : memref<49152xf32, #tpu.memory_space<vmem>>[vector<16xi32>], vector<16xf32>,
      %sub3A_93 = arith.subf %gather3A_84, %gather3A : vector<16xf32>
      %sub3A_94 = arith.subf %gather3A_88, %gather3A_74 : vector<16xf32>
      %sub3A_95 = arith.subf %gather3A_92, %gather3A_78 : vector<16xf32>
      %mul3A_96 = arith.mulf %sub3A_93, %sub3A_93 : vector<16xf32>
      %mul3A_97 = arith.mulf %sub3A_94, %sub3A_94 : vector<16xf32>
      %add3A_98 = arith.addf %mul3A_96, %mul3A_97 : vector<16xf32>
      %mul3A_99 = arith.mulf %sub3A_95, %sub3A_95 : vector<16xf32>
      %add3A_100 = arith.addf %add3A_98, %mul3A_99 : vector<16xf32>
      %bitcast_convert_type3A = tpu.bitcast %add3A_100 : vector<16xf32> -> vector<16xi32>
      %shift_right_arithmetic3A = arith.constant 1 : i32
      %shift_right_arithmetic3A_101 = vector.broadcast %shift_right_arithmetic3A : i32 to vector<16xi32>
      %shift_right_arithmetic3A_102 = arith.shrsi %bitcast_convert_type3A, %shift_right_arithmetic3A_101 : vector<16xi32>
      %sub3A_103 = arith.constant 1597463007 : i32
      %sub3A_104 = vector.broadcast %sub3A_103 : i32 to vector<16xi32>
      %sub3A_105 = arith.subi %sub3A_104, %shift_right_arithmetic3A_102 : vector<16xi32>
      %bitcast_convert_type3A_106 = tpu.bitcast %sub3A_105 : vector<16xi32> -> vector<16xf32>
      %mul3A_107 = arith.constant 5.000000e-01 : f32
      %mul3A_108 = vector.broadcast %mul3A_107 : f32 to vector<16xf32>
      %mul3A_109 = arith.mulf %mul3A_108, %add3A_100 : vector<16xf32>
      %mul3A_110 = arith.mulf %mul3A_109, %bitcast_convert_type3A_106 : vector<16xf32>
      %mul3A_111 = arith.mulf %mul3A_110, %bitcast_convert_type3A_106 : vector<16xf32>
      %sub3A_112 = arith.constant 1.500000e+00 : f32
      %sub3A_113 = vector.broadcast %sub3A_112 : f32 to vector<16xf32>
      %sub3A_114 = arith.subf %sub3A_113, %mul3A_111 : vector<16xf32>
      %mul3A_115 = arith.mulf %bitcast_convert_type3A_106, %sub3A_114 : vector<16xf32>
      %mul3A_116 = arith.constant 5.000000e-01 : f32
      %mul3A_117 = vector.broadcast %mul3A_116 : f32 to vector<16xf32>
      %mul3A_118 = arith.mulf %mul3A_117, %add3A_100 : vector<16xf32>
      %mul3A_119 = arith.mulf %mul3A_118, %mul3A_115 : vector<16xf32>
      %mul3A_120 = arith.mulf %mul3A_119, %mul3A_115 : vector<16xf32>
      %sub3A_121 = arith.constant 1.500000e+00 : f32
      %sub3A_122 = vector.broadcast %sub3A_121 : f32 to vector<16xf32>
      %sub3A_123 = arith.subf %sub3A_122, %mul3A_120 : vector<16xf32>
      %mul3A_124 = arith.mulf %mul3A_115, %sub3A_123 : vector<16xf32>
      %mul3A_125 = arith.constant 5.000000e-01 : f32
      %mul3A_126 = vector.broadcast %mul3A_125 : f32 to vector<16xf32>
      %mul3A_127 = arith.mulf %mul3A_126, %add3A_100 : vector<16xf32>
      %mul3A_128 = arith.mulf %mul3A_127, %mul3A_124 : vector<16xf32>
      %mul3A_129 = arith.mulf %mul3A_128, %mul3A_124 : vector<16xf32>
      %sub3A_130 = arith.constant 1.500000e+00 : f32
      %sub3A_131 = vector.broadcast %sub3A_130 : f32 to vector<16xf32>
      %sub3A_132 = arith.subf %sub3A_131, %mul3A_129 : vector<16xf32>
      %mul3A_133 = arith.mulf %mul3A_124, %sub3A_132 : vector<16xf32>
      %gt3A = arith.constant 0.000000e+00 : f32
      %gt3A_134 = vector.broadcast %gt3A : f32 to vector<16xf32>
      %gt3A_135 = arith.cmpf ogt, %add3A_100, %gt3A_134 : vector<16xf32>
      %mul3A_136 = arith.mulf %add3A_100, %mul3A_133 : vector<16xf32>
      %jit3A_137 = arith.constant 0.000000e+00 : f32
      %broadcast_in_dim3A_138 = vector.broadcast %jit3A_137 : f32 to vector<16xf32>
      %select_n3A_139 = arith.select %gt3A_135, %mul3A_136, %broadcast_in_dim3A_138 : vector<16xi1>, vector<16xf32>
      %mul3A_140 = arith.constant 160 : i32
      %mul3A_141 = arith.muli %scan3A_60, %mul3A_140 : i32
      %mul3A_142 = arith.constant 10 : i32
      %mul3A_143 = vector.broadcast %mul3A_142 : i32 to vector<16xi32>
      %mul3A_144 = arith.muli %iota3A, %mul3A_143 : vector<16xi32>
      %add3A_145 = vector.broadcast %mul3A_141 : i32 to vector<16xi32>
      %add3A_146 = arith.addi %add3A_145, %mul3A_144 : vector<16xi32>
      tpu.vector_store_idx %arg7[%add3A_146], %select_n3A_139 : memref<20480xf32, #tpu.memory_space<vmem>>[vector<16xi32>], vector<16xf32>,
      %add3A_147 = arith.constant 1 : i32
      %add3A_148 = vector.broadcast %add3A_147 : i32 to vector<16xi32>
      %add3A_149 = arith.addi %add3A_146, %add3A_148 : vector<16xi32>
      tpu.vector_store_idx %arg7[%add3A_149], %sub3A_93 : memref<20480xf32, #tpu.memory_space<vmem>>[vector<16xi32>], vector<16xf32>,
      %add3A_150 = arith.constant 2 : i32
      %add3A_151 = vector.broadcast %add3A_150 : i32 to vector<16xi32>
      %add3A_152 = arith.addi %add3A_146, %add3A_151 : vector<16xi32>
      tpu.vector_store_idx %arg7[%add3A_152], %sub3A_94 : memref<20480xf32, #tpu.memory_space<vmem>>[vector<16xi32>], vector<16xf32>,
      %add3A_153 = arith.constant 3 : i32
      %add3A_154 = vector.broadcast %add3A_153 : i32 to vector<16xi32>
      %add3A_155 = arith.addi %add3A_146, %add3A_154 : vector<16xi32>
      tpu.vector_store_idx %arg7[%add3A_155], %sub3A_95 : memref<20480xf32, #tpu.memory_space<vmem>>[vector<16xi32>], vector<16xf32>,
      %add3A_156 = arith.constant 4 : i32
      %add3A_157 = vector.broadcast %add3A_156 : i32 to vector<16xi32>
      %add3A_158 = arith.addi %add3A_146, %add3A_157 : vector<16xi32>
      tpu.vector_store_idx %arg7[%add3A_158], %gather3A_84 : memref<20480xf32, #tpu.memory_space<vmem>>[vector<16xi32>], vector<16xf32>,
      %add3A_159 = arith.constant 5 : i32
      %add3A_160 = vector.broadcast %add3A_159 : i32 to vector<16xi32>
      %add3A_161 = arith.addi %add3A_146, %add3A_160 : vector<16xi32>
      tpu.vector_store_idx %arg7[%add3A_161], %gather3A_88 : memref<20480xf32, #tpu.memory_space<vmem>>[vector<16xi32>], vector<16xf32>,
      %add3A_162 = arith.constant 6 : i32
      %add3A_163 = vector.broadcast %add3A_162 : i32 to vector<16xi32>
      %add3A_164 = arith.addi %add3A_146, %add3A_163 : vector<16xi32>
      tpu.vector_store_idx %arg7[%add3A_164], %gather3A_92 : memref<20480xf32, #tpu.memory_space<vmem>>[vector<16xi32>], vector<16xf32>,
      %add3A_165 = arith.constant 7 : i32
      %add3A_166 = vector.broadcast %add3A_165 : i32 to vector<16xi32>
      %add3A_167 = arith.addi %add3A_146, %add3A_166 : vector<16xi32>
      tpu.vector_store_idx %arg7[%add3A_167], %gather3A : memref<20480xf32, #tpu.memory_space<vmem>>[vector<16xi32>], vector<16xf32>,
      %add3A_168 = arith.constant 8 : i32
      %add3A_169 = vector.broadcast %add3A_168 : i32 to vector<16xi32>
      %add3A_170 = arith.addi %add3A_146, %add3A_169 : vector<16xi32>
      tpu.vector_store_idx %arg7[%add3A_170], %gather3A_74 : memref<20480xf32, #tpu.memory_space<vmem>>[vector<16xi32>], vector<16xf32>,
      %add3A_171 = arith.constant 9 : i32
      %add3A_172 = vector.broadcast %add3A_171 : i32 to vector<16xi32>
      %add3A_173 = arith.addi %add3A_146, %add3A_172 : vector<16xi32>
      tpu.vector_store_idx %arg7[%add3A_173], %gather3A_78 : memref<20480xf32, #tpu.memory_space<vmem>>[vector<16xi32>], vector<16xf32>,
    }
    %scan3A_45 = arith.constant 128 : i32
    %mul3A_46 = arith.constant 81920 : i32
    %mul3A_47 = arith.muli %add3A, %mul3A_46 : i32
    %add3A_48 = arith.constant 40960 : i32
    %add3A_49 = arith.addi %mul3A_47, %add3A_48 : i32
    "tpu.region"() ({
      %run_scoped3A = tpu.sem_alloc : memref<!tpu.dma_semaphore, #tpu.memory_space<semaphore_mem>>
      %dma_start3A = tpu.memref_slice %arg4[%add3A_49] : memref<2621440xf32, #tpu.memory_space<hbm>> -> memref<20480xf32, #tpu.memory_space<hbm>>
      %dma_start3A_60 = tpu.memref_slice %arg4[%add3A_49] : memref<2621440xf32, #tpu.memory_space<hbm>> -> memref<20480xf32, #tpu.memory_space<hbm>>
      tpu.enqueue_dma source(%arg7 : memref<20480xf32, #tpu.memory_space<vmem>>) target(%dma_start3A_60 : memref<20480xf32, #tpu.memory_space<hbm>>) target_semaphore(%run_scoped3A : memref<!tpu.dma_semaphore, #tpu.memory_space<semaphore_mem>>)
      %dma_wait3A = tpu.memref_slice %arg4[%add3A_49] : memref<2621440xf32, #tpu.memory_space<hbm>> -> memref<20480xf32, #tpu.memory_space<hbm>>
      %dma_wait3A_61 = tpu.memref_slice %arg4[%add3A_49] : memref<2621440xf32, #tpu.memory_space<hbm>> -> memref<20480xf32, #tpu.memory_space<hbm>>
      tpu.wait_dma2 semaphore(%run_scoped3A : memref<!tpu.dma_semaphore, #tpu.memory_space<semaphore_mem>>) src(%arg7 : memref<20480xf32, #tpu.memory_space<vmem>>) dst(%dma_wait3A_61 : memref<20480xf32, #tpu.memory_space<hbm>>)
      tpu.yield
    }) : () -> ()
    %scan3A_50 = arith.constant 0 : i32
    %scan3A_51 = arith.constant 0 : i32
    %scan3A_52 = arith.constant 128 : i32
    %scan3A_53 = arith.addi %scan3A_51, %scan3A_52 : i32
    %scan3A_54 = arith.constant 1 : i32
    scf.for %scan3A_60 = %scan3A_51 to %scan3A_53 step %scan3A_54  : i32 {
      %add3A_61 = arith.constant 384 : i32
      %add3A_62 = arith.addi %add3A_61, %scan3A_60 : i32
      %mul3A_63 = arith.constant 16 : i32
      %mul3A_64 = arith.muli %add3A_62, %mul3A_63 : i32
      %get3A = arith.index_cast %mul3A_64 : i32 to index
      %get3A_65 = tpu.vector_load %arg6[%get3A] {strides = array<i32>} : memref<8192xi32, #tpu.memory_space<vmem>>, vector<16xi32>,
      %add3A_66 = vector.broadcast %mul3A_20 : i32 to vector<16xi32>
      %add3A_67 = arith.addi %get3A_65, %add3A_66 : vector<16xi32>
      %mul3A_68 = arith.constant 3 : i32
      %mul3A_69 = vector.broadcast %mul3A_68 : i32 to vector<16xi32>
      %mul3A_70 = arith.muli %add3A_67, %mul3A_69 : vector<16xi32>
      %gather3A = tpu.vector_load_idx %arg5[%mul3A_70] : memref<49152xf32, #tpu.memory_space<vmem>>[vector<16xi32>], vector<16xf32>,
      %add3A_71 = arith.constant 1 : i32
      %add3A_72 = vector.broadcast %add3A_71 : i32 to vector<16xi32>
      %add3A_73 = arith.addi %mul3A_70, %add3A_72 : vector<16xi32>
      %gather3A_74 = tpu.vector_load_idx %arg5[%add3A_73] : memref<49152xf32, #tpu.memory_space<vmem>>[vector<16xi32>], vector<16xf32>,
      %add3A_75 = arith.constant 2 : i32
      %add3A_76 = vector.broadcast %add3A_75 : i32 to vector<16xi32>
      %add3A_77 = arith.addi %mul3A_70, %add3A_76 : vector<16xi32>
      %gather3A_78 = tpu.vector_load_idx %arg5[%add3A_77] : memref<49152xf32, #tpu.memory_space<vmem>>[vector<16xi32>], vector<16xf32>,
      %mul3A_79 = arith.constant 512 : i32
      %mul3A_80 = arith.muli %add3A, %mul3A_79 : i32
      %add3A_81 = arith.addi %mul3A_80, %add3A_62 : i32
      %mul3A_82 = arith.constant 3 : i32
      %mul3A_83 = arith.muli %add3A_81, %mul3A_82 : i32
      %broadcast_in_dim3A = vector.broadcast %mul3A_83 : i32 to vector<16xi32>
      %gather3A_84 = tpu.vector_load_idx %arg5[%broadcast_in_dim3A] : memref<49152xf32, #tpu.memory_space<vmem>>[vector<16xi32>], vector<16xf32>,
      %add3A_85 = arith.constant 1 : i32
      %add3A_86 = vector.broadcast %add3A_85 : i32 to vector<16xi32>
      %add3A_87 = arith.addi %broadcast_in_dim3A, %add3A_86 : vector<16xi32>
      %gather3A_88 = tpu.vector_load_idx %arg5[%add3A_87] : memref<49152xf32, #tpu.memory_space<vmem>>[vector<16xi32>], vector<16xf32>,
      %add3A_89 = arith.constant 2 : i32
      %add3A_90 = vector.broadcast %add3A_89 : i32 to vector<16xi32>
      %add3A_91 = arith.addi %broadcast_in_dim3A, %add3A_90 : vector<16xi32>
      %gather3A_92 = tpu.vector_load_idx %arg5[%add3A_91] : memref<49152xf32, #tpu.memory_space<vmem>>[vector<16xi32>], vector<16xf32>,
      %sub3A_93 = arith.subf %gather3A_84, %gather3A : vector<16xf32>
      %sub3A_94 = arith.subf %gather3A_88, %gather3A_74 : vector<16xf32>
      %sub3A_95 = arith.subf %gather3A_92, %gather3A_78 : vector<16xf32>
      %mul3A_96 = arith.mulf %sub3A_93, %sub3A_93 : vector<16xf32>
      %mul3A_97 = arith.mulf %sub3A_94, %sub3A_94 : vector<16xf32>
      %add3A_98 = arith.addf %mul3A_96, %mul3A_97 : vector<16xf32>
      %mul3A_99 = arith.mulf %sub3A_95, %sub3A_95 : vector<16xf32>
      %add3A_100 = arith.addf %add3A_98, %mul3A_99 : vector<16xf32>
      %bitcast_convert_type3A = tpu.bitcast %add3A_100 : vector<16xf32> -> vector<16xi32>
      %shift_right_arithmetic3A = arith.constant 1 : i32
      %shift_right_arithmetic3A_101 = vector.broadcast %shift_right_arithmetic3A : i32 to vector<16xi32>
      %shift_right_arithmetic3A_102 = arith.shrsi %bitcast_convert_type3A, %shift_right_arithmetic3A_101 : vector<16xi32>
      %sub3A_103 = arith.constant 1597463007 : i32
      %sub3A_104 = vector.broadcast %sub3A_103 : i32 to vector<16xi32>
      %sub3A_105 = arith.subi %sub3A_104, %shift_right_arithmetic3A_102 : vector<16xi32>
      %bitcast_convert_type3A_106 = tpu.bitcast %sub3A_105 : vector<16xi32> -> vector<16xf32>
      %mul3A_107 = arith.constant 5.000000e-01 : f32
      %mul3A_108 = vector.broadcast %mul3A_107 : f32 to vector<16xf32>
      %mul3A_109 = arith.mulf %mul3A_108, %add3A_100 : vector<16xf32>
      %mul3A_110 = arith.mulf %mul3A_109, %bitcast_convert_type3A_106 : vector<16xf32>
      %mul3A_111 = arith.mulf %mul3A_110, %bitcast_convert_type3A_106 : vector<16xf32>
      %sub3A_112 = arith.constant 1.500000e+00 : f32
      %sub3A_113 = vector.broadcast %sub3A_112 : f32 to vector<16xf32>
      %sub3A_114 = arith.subf %sub3A_113, %mul3A_111 : vector<16xf32>
      %mul3A_115 = arith.mulf %bitcast_convert_type3A_106, %sub3A_114 : vector<16xf32>
      %mul3A_116 = arith.constant 5.000000e-01 : f32
      %mul3A_117 = vector.broadcast %mul3A_116 : f32 to vector<16xf32>
      %mul3A_118 = arith.mulf %mul3A_117, %add3A_100 : vector<16xf32>
      %mul3A_119 = arith.mulf %mul3A_118, %mul3A_115 : vector<16xf32>
      %mul3A_120 = arith.mulf %mul3A_119, %mul3A_115 : vector<16xf32>
      %sub3A_121 = arith.constant 1.500000e+00 : f32
      %sub3A_122 = vector.broadcast %sub3A_121 : f32 to vector<16xf32>
      %sub3A_123 = arith.subf %sub3A_122, %mul3A_120 : vector<16xf32>
      %mul3A_124 = arith.mulf %mul3A_115, %sub3A_123 : vector<16xf32>
      %mul3A_125 = arith.constant 5.000000e-01 : f32
      %mul3A_126 = vector.broadcast %mul3A_125 : f32 to vector<16xf32>
      %mul3A_127 = arith.mulf %mul3A_126, %add3A_100 : vector<16xf32>
      %mul3A_128 = arith.mulf %mul3A_127, %mul3A_124 : vector<16xf32>
      %mul3A_129 = arith.mulf %mul3A_128, %mul3A_124 : vector<16xf32>
      %sub3A_130 = arith.constant 1.500000e+00 : f32
      %sub3A_131 = vector.broadcast %sub3A_130 : f32 to vector<16xf32>
      %sub3A_132 = arith.subf %sub3A_131, %mul3A_129 : vector<16xf32>
      %mul3A_133 = arith.mulf %mul3A_124, %sub3A_132 : vector<16xf32>
      %gt3A = arith.constant 0.000000e+00 : f32
      %gt3A_134 = vector.broadcast %gt3A : f32 to vector<16xf32>
      %gt3A_135 = arith.cmpf ogt, %add3A_100, %gt3A_134 : vector<16xf32>
      %mul3A_136 = arith.mulf %add3A_100, %mul3A_133 : vector<16xf32>
      %jit3A_137 = arith.constant 0.000000e+00 : f32
      %broadcast_in_dim3A_138 = vector.broadcast %jit3A_137 : f32 to vector<16xf32>
      %select_n3A_139 = arith.select %gt3A_135, %mul3A_136, %broadcast_in_dim3A_138 : vector<16xi1>, vector<16xf32>
      %mul3A_140 = arith.constant 160 : i32
      %mul3A_141 = arith.muli %scan3A_60, %mul3A_140 : i32
      %mul3A_142 = arith.constant 10 : i32
      %mul3A_143 = vector.broadcast %mul3A_142 : i32 to vector<16xi32>
      %mul3A_144 = arith.muli %iota3A, %mul3A_143 : vector<16xi32>
      %add3A_145 = vector.broadcast %mul3A_141 : i32 to vector<16xi32>
      %add3A_146 = arith.addi %add3A_145, %mul3A_144 : vector<16xi32>
      tpu.vector_store_idx %arg7[%add3A_146], %select_n3A_139 : memref<20480xf32, #tpu.memory_space<vmem>>[vector<16xi32>], vector<16xf32>,
      %add3A_147 = arith.constant 1 : i32
      %add3A_148 = vector.broadcast %add3A_147 : i32 to vector<16xi32>
      %add3A_149 = arith.addi %add3A_146, %add3A_148 : vector<16xi32>
      tpu.vector_store_idx %arg7[%add3A_149], %sub3A_93 : memref<20480xf32, #tpu.memory_space<vmem>>[vector<16xi32>], vector<16xf32>,
      %add3A_150 = arith.constant 2 : i32
      %add3A_151 = vector.broadcast %add3A_150 : i32 to vector<16xi32>
      %add3A_152 = arith.addi %add3A_146, %add3A_151 : vector<16xi32>
      tpu.vector_store_idx %arg7[%add3A_152], %sub3A_94 : memref<20480xf32, #tpu.memory_space<vmem>>[vector<16xi32>], vector<16xf32>,
      %add3A_153 = arith.constant 3 : i32
      %add3A_154 = vector.broadcast %add3A_153 : i32 to vector<16xi32>
      %add3A_155 = arith.addi %add3A_146, %add3A_154 : vector<16xi32>
      tpu.vector_store_idx %arg7[%add3A_155], %sub3A_95 : memref<20480xf32, #tpu.memory_space<vmem>>[vector<16xi32>], vector<16xf32>,
      %add3A_156 = arith.constant 4 : i32
      %add3A_157 = vector.broadcast %add3A_156 : i32 to vector<16xi32>
      %add3A_158 = arith.addi %add3A_146, %add3A_157 : vector<16xi32>
      tpu.vector_store_idx %arg7[%add3A_158], %gather3A_84 : memref<20480xf32, #tpu.memory_space<vmem>>[vector<16xi32>], vector<16xf32>,
      %add3A_159 = arith.constant 5 : i32
      %add3A_160 = vector.broadcast %add3A_159 : i32 to vector<16xi32>
      %add3A_161 = arith.addi %add3A_146, %add3A_160 : vector<16xi32>
      tpu.vector_store_idx %arg7[%add3A_161], %gather3A_88 : memref<20480xf32, #tpu.memory_space<vmem>>[vector<16xi32>], vector<16xf32>,
      %add3A_162 = arith.constant 6 : i32
      %add3A_163 = vector.broadcast %add3A_162 : i32 to vector<16xi32>
      %add3A_164 = arith.addi %add3A_146, %add3A_163 : vector<16xi32>
      tpu.vector_store_idx %arg7[%add3A_164], %gather3A_92 : memref<20480xf32, #tpu.memory_space<vmem>>[vector<16xi32>], vector<16xf32>,
      %add3A_165 = arith.constant 7 : i32
      %add3A_166 = vector.broadcast %add3A_165 : i32 to vector<16xi32>
      %add3A_167 = arith.addi %add3A_146, %add3A_166 : vector<16xi32>
      tpu.vector_store_idx %arg7[%add3A_167], %gather3A : memref<20480xf32, #tpu.memory_space<vmem>>[vector<16xi32>], vector<16xf32>,
      %add3A_168 = arith.constant 8 : i32
      %add3A_169 = vector.broadcast %add3A_168 : i32 to vector<16xi32>
      %add3A_170 = arith.addi %add3A_146, %add3A_169 : vector<16xi32>
      tpu.vector_store_idx %arg7[%add3A_170], %gather3A_74 : memref<20480xf32, #tpu.memory_space<vmem>>[vector<16xi32>], vector<16xf32>,
      %add3A_171 = arith.constant 9 : i32
      %add3A_172 = vector.broadcast %add3A_171 : i32 to vector<16xi32>
      %add3A_173 = arith.addi %add3A_146, %add3A_172 : vector<16xi32>
      tpu.vector_store_idx %arg7[%add3A_173], %gather3A_78 : memref<20480xf32, #tpu.memory_space<vmem>>[vector<16xi32>], vector<16xf32>,
    }
    %scan3A_55 = arith.constant 128 : i32
    %mul3A_56 = arith.constant 81920 : i32
    %mul3A_57 = arith.muli %add3A, %mul3A_56 : i32
    %add3A_58 = arith.constant 61440 : i32
    %add3A_59 = arith.addi %mul3A_57, %add3A_58 : i32
    "tpu.region"() ({
      %run_scoped3A = tpu.sem_alloc : memref<!tpu.dma_semaphore, #tpu.memory_space<semaphore_mem>>
      %dma_start3A = tpu.memref_slice %arg4[%add3A_59] : memref<2621440xf32, #tpu.memory_space<hbm>> -> memref<20480xf32, #tpu.memory_space<hbm>>
      %dma_start3A_60 = tpu.memref_slice %arg4[%add3A_59] : memref<2621440xf32, #tpu.memory_space<hbm>> -> memref<20480xf32, #tpu.memory_space<hbm>>
      tpu.enqueue_dma source(%arg7 : memref<20480xf32, #tpu.memory_space<vmem>>) target(%dma_start3A_60 : memref<20480xf32, #tpu.memory_space<hbm>>) target_semaphore(%run_scoped3A : memref<!tpu.dma_semaphore, #tpu.memory_space<semaphore_mem>>)
      %dma_wait3A = tpu.memref_slice %arg4[%add3A_59] : memref<2621440xf32, #tpu.memory_space<hbm>> -> memref<20480xf32, #tpu.memory_space<hbm>>
      %dma_wait3A_61 = tpu.memref_slice %arg4[%add3A_59] : memref<2621440xf32, #tpu.memory_space<hbm>> -> memref<20480xf32, #tpu.memory_space<hbm>>
      tpu.wait_dma2 semaphore(%run_scoped3A : memref<!tpu.dma_semaphore, #tpu.memory_space<semaphore_mem>>) src(%arg7 : memref<20480xf32, #tpu.memory_space<vmem>>) dst(%dma_wait3A_61 : memref<20480xf32, #tpu.memory_space<hbm>>)
      tpu.yield
    }) : () -> ()
    return
  }
}

module attributes {stable_mosaic.version = 14 : i64} {
  func.func @_topk_body(%arg0: i32, %arg1: i32, %arg2: memref<1x1024x64xf32, #tpu.memory_space<vmem>>, %arg3: memref<1x2048x64xf32, #tpu.memory_space<vmem>>, %arg4: memref<1x1024x16xi32, #tpu.memory_space<vmem>>, %arg5: memref<1024x2048xf32, #tpu.memory_space<vmem>>, %arg6: memref<2048x64xbf16, #tpu.memory_space<vmem>>, %arg7: memref<1x2048xf32, #tpu.memory_space<vmem>>) attributes {dimension_semantics = [#tpu.dimension_semantics<arbitrary>, #tpu.dimension_semantics<arbitrary>], iteration_bounds = array<i64: 8, 2>, scalar_prefetch = 0 : i64, scratch_operands = 3 : i64, tpu.core_type = #tpu.core_type<tc>, window_params = [{transform_indices = @transform_0, window_bounds = array<i64: 1, 1024, 64>}, {transform_indices = @transform_1, window_bounds = array<i64: 1, 2048, 64>}, {transform_indices = @transform_2, window_bounds = array<i64: 1, 1024, 16>}]} {
    %get3A = arith.constant 0 : index
    %get3A_0 = arith.constant 0 : index
    %get3A_1 = arith.constant 0 : index
    %get3A_2 = vector.load %arg2[%get3A, %get3A_0, %get3A_1] : memref<1x1024x64xf32, #tpu.memory_space<vmem>>, vector<1x1024x64xf32>
    %get3A_3 = vector.shape_cast %get3A_2 : vector<1x1024x64xf32> to vector<1024x64xf32>
    %eq3A = arith.constant 0 : i32
    %eq3A_4 = arith.cmpi eq, %arg1, %eq3A : i32
    %convert_element_type3A = arith.extui %eq3A_4 : i1 to i32
    %cond3A = arith.constant 0 : i32
    %cond3A_5 = arith.cmpi ne, %convert_element_type3A, %cond3A : i32
    scf.if %cond3A_5 {
      %get3A_38 = arith.constant 0 : index
      %get3A_39 = arith.constant 0 : index
      %get3A_40 = arith.constant 0 : index
      %get3A_41 = vector.load %arg3[%get3A_38, %get3A_39, %get3A_40] : memref<1x2048x64xf32, #tpu.memory_space<vmem>>, vector<1x2048x64xf32>
      %get3A_42 = vector.shape_cast %get3A_41 : vector<1x2048x64xf32> to vector<2048x64xf32>
      %convert_element_type3A_43 = arith.truncf %get3A_42 : vector<2048x64xf32> to vector<2048x64xbf16>
      %swap3A_44 = arith.constant 0 : index
      %swap3A_45 = arith.constant 0 : index
      %swap3A_46 = vector.load %arg6[%swap3A_44, %swap3A_45] : memref<2048x64xbf16, #tpu.memory_space<vmem>>, vector<2048x64xbf16>
      tpu.vector_store %arg6[%swap3A_44, %swap3A_45], %convert_element_type3A_43 {strides = array<i32>} : memref<2048x64xbf16, #tpu.memory_space<vmem>>, vector<2048x64xbf16>,
      %broadcast_in_dim3A_47 = arith.constant 1.000000e+00 : f32
      %broadcast_in_dim3A_48 = vector.broadcast %broadcast_in_dim3A_47 : f32 to vector<1x64xf32>
      %mul3A_49 = arith.mulf %get3A_42, %get3A_42 : vector<2048x64xf32>
      %dot_general3A_50 = arith.constant dense<0.000000e+00> : vector<1x2048xf32>
      %dot_general3A_51 = tpu.matmul %broadcast_in_dim3A_48, %mul3A_49, %dot_general3A_50 {dimension_numbers = #tpu.dot_dimension_numbers<[1], [1], [0], [0], [0, 0, 1, 0], [], []>, precision = #tpu.contract_precision<fp32>, transpose_lhs_hint = false} : vector<1x64xf32>, vector<2048x64xf32>, vector<1x2048xf32> -> vector<1x2048xf32>
      %swap3A_52 = arith.constant 0 : index
      %swap3A_53 = arith.constant 0 : index
      %swap3A_54 = vector.load %arg7[%swap3A_52, %swap3A_53] : memref<1x2048xf32, #tpu.memory_space<vmem>>, vector<1x2048xf32>
      tpu.vector_store %arg7[%swap3A_52, %swap3A_53], %dot_general3A_51 {strides = array<i32>} : memref<1x2048xf32, #tpu.memory_space<vmem>>, vector<1x2048xf32>,
    } else {
    }
    %mul3A = arith.mulf %get3A_3, %get3A_3 : vector<1024x64xf32>
    %reduce_sum3A = arith.constant dense<0.000000e+00> : vector<1024xf32>
    %reduce_sum3A_6 = vector.multi_reduction <add>, %mul3A, %reduce_sum3A [1] : vector<1024x64xf32> to vector<1024xf32>
    %broadcast_in_dim3A = vector.shape_cast %reduce_sum3A_6 : vector<1024xf32> to vector<1024x1xf32>
    %convert_element_type3A_7 = arith.truncf %get3A_3 : vector<1024x64xf32> to vector<1024x64xbf16>
    %get3A_8 = arith.constant 0 : index
    %get3A_9 = arith.constant 0 : index
    %get3A_10 = vector.load %arg6[%get3A_8, %get3A_9] : memref<2048x64xbf16, #tpu.memory_space<vmem>>, vector<2048x64xbf16>
    %dot_general3A = arith.constant dense<0.000000e+00> : vector<1024x2048xf32>
    %dot_general3A_11 = tpu.matmul %convert_element_type3A_7, %get3A_10, %dot_general3A {dimension_numbers = #tpu.dot_dimension_numbers<[1], [1], [0], [0], [0, 0, 1, 0], [], []>, transpose_lhs_hint = false} : vector<1024x64xbf16>, vector<2048x64xbf16>, vector<1024x2048xf32> -> vector<1024x2048xf32>
    %mul3A_12 = arith.constant -2.000000e+00 : f32
    %mul3A_13 = vector.broadcast %mul3A_12 : f32 to vector<1024x2048xf32>
    %mul3A_14 = arith.mulf %mul3A_13, %dot_general3A_11 : vector<1024x2048xf32>
    %add3A = vector.broadcast %broadcast_in_dim3A : vector<1024x1xf32> to vector<1024x2048xf32>
    %add3A_15 = arith.addf %add3A, %mul3A_14 : vector<1024x2048xf32>
    %get3A_16 = arith.constant 0 : index
    %get3A_17 = arith.constant 0 : index
    %get3A_18 = vector.load %arg7[%get3A_16, %get3A_17] : memref<1x2048xf32, #tpu.memory_space<vmem>>, vector<1x2048xf32>
    %add3A_19 = vector.broadcast %get3A_18 : vector<1x2048xf32> to vector<1024x2048xf32>
    %add3A_20 = arith.addf %add3A_15, %add3A_19 : vector<1024x2048xf32>
    %swap3A = arith.constant 0 : index
    %swap3A_21 = arith.constant 0 : index
    %swap3A_22 = vector.load %arg5[%swap3A, %swap3A_21] : memref<1024x2048xf32, #tpu.memory_space<vmem>>, vector<1024x2048xf32>
    tpu.vector_store %arg5[%swap3A, %swap3A_21], %add3A_20 {strides = array<i32>} : memref<1024x2048xf32, #tpu.memory_space<vmem>>, vector<1024x2048xf32>,
    %iota3A = tpu.iota {dimensions = array<i32: 1>} : vector<1024x2048xi32>
    %iota3A_23 = tpu.iota {dimensions = array<i32: 1>} : vector<1024x16xi32>
    %broadcast_in_dim3A_24 = arith.constant 0 : i32
    %broadcast_in_dim3A_25 = vector.broadcast %broadcast_in_dim3A_24 : i32 to vector<1024x16xi32>
    %scan3A = arith.constant 0x7F800000 : f32
    %scan3A_26 = arith.constant 0 : i32
    %scan3A_27 = arith.constant 31 : i32
    %scan3A_28 = arith.addi %scan3A_26, %scan3A_27 : i32
    %scan3A_29 = arith.constant 1 : i32
    %scan3A_30 = scf.for %scan3A_38 = %scan3A_26 to %scan3A_28 step %scan3A_29 iter_args(%scan3A_39 = %broadcast_in_dim3A_25) -> (vector<1024x16xi32>)  : i32 {
      %get3A_40 = arith.constant 0 : index
      %get3A_41 = arith.constant 0 : index
      %get3A_42 = vector.load %arg5[%get3A_40, %get3A_41] : memref<1024x2048xf32, #tpu.memory_space<vmem>>, vector<1024x2048xf32>
      %reduce_min3A = arith.constant dense<0x7F800000> : vector<1024xf32>
      %reduce_min3A_43 = vector.multi_reduction <minimumf>, %get3A_42, %reduce_min3A [1] : vector<1024x2048xf32> to vector<1024xf32>
      %broadcast_in_dim3A_44 = vector.shape_cast %reduce_min3A_43 : vector<1024xf32> to vector<1024x1xf32>
      %eq3A_45 = vector.broadcast %broadcast_in_dim3A_44 : vector<1024x1xf32> to vector<1024x2048xf32>
      %eq3A_46 = arith.cmpf oeq, %get3A_42, %eq3A_45 : vector<1024x2048xf32>
      %jit3A = arith.constant 2048 : i32
      %broadcast_in_dim3A_47 = vector.broadcast %jit3A : i32 to vector<1024x2048xi32>
      %select_n3A = arith.select %eq3A_46, %iota3A, %broadcast_in_dim3A_47 : vector<1024x2048xi1>, vector<1024x2048xi32>
      %reduce_min3A_48 = arith.constant dense<2147483647> : vector<1024xi32>
      %reduce_min3A_49 = vector.multi_reduction <minsi>, %select_n3A, %reduce_min3A_48 [1] : vector<1024x2048xi32> to vector<1024xi32>
      %broadcast_in_dim3A_50 = vector.shape_cast %reduce_min3A_49 : vector<1024xi32> to vector<1024x1xi32>
      %eq3A_51 = vector.broadcast %broadcast_in_dim3A_50 : vector<1024x1xi32> to vector<1024x2048xi32>
      %eq3A_52 = arith.cmpi eq, %iota3A, %eq3A_51 : vector<1024x2048xi32>
      %broadcast_in_dim3A_53 = vector.broadcast %scan3A : f32 to vector<1024x2048xf32>
      %select_n3A_54 = arith.select %eq3A_52, %broadcast_in_dim3A_53, %get3A_42 : vector<1024x2048xi1>, vector<1024x2048xf32>
      %swap3A_55 = arith.constant 0 : index
      %swap3A_56 = arith.constant 0 : index
      %swap3A_57 = vector.load %arg5[%swap3A_55, %swap3A_56] : memref<1024x2048xf32, #tpu.memory_space<vmem>>, vector<1024x2048xf32>
      tpu.vector_store %arg5[%swap3A_55, %swap3A_56], %select_n3A_54 {strides = array<i32>} : memref<1024x2048xf32, #tpu.memory_space<vmem>>, vector<1024x2048xf32>,
      %jit3A_58 = arith.constant 2 : i32
      %eq3A_59 = arith.constant 0 : i32
      %eq3A_60 = arith.cmpi eq, %jit3A_58, %eq3A_59 : i32
      %jit3A_61 = arith.constant 1 : i32
      %select_n3A_62 = arith.select %eq3A_60, %jit3A_61, %jit3A_58 : i32
      %rem3A = arith.remsi %scan3A_38, %select_n3A_62 : i32
      %ne3A = arith.constant 0 : i32
      %ne3A_63 = arith.cmpi ne, %rem3A, %ne3A : i32
      %lt3A = arith.constant 0 : i32
      %lt3A_64 = arith.cmpi slt, %rem3A, %lt3A : i32
      %lt3A_65 = arith.constant 0 : i32
      %lt3A_66 = arith.cmpi slt, %select_n3A_62, %lt3A_65 : i32
      %ne3A_67 = arith.xori %lt3A_64, %lt3A_66 : i1
      %and3A = arith.andi %ne3A_67, %ne3A_63 : i1
      %add3A_68 = arith.addi %rem3A, %select_n3A_62 : i32
      %select_n3A_69 = arith.select %and3A, %add3A_68, %rem3A : i32
      %eq3A_70 = arith.constant 0 : i32
      %eq3A_71 = arith.cmpi eq, %select_n3A_69, %eq3A_70 : i32
      %jit3A_72 = arith.constant 2 : i32
      %div3A = arith.divsi %scan3A_38, %jit3A_72 : i32
      %sign3A = arith.constant 0 : i32
      %sign3A_73 = arith.cmpi sgt, %scan3A_38, %sign3A : i32
      %sign3A_74 = arith.extui %sign3A_73 : i1 to i32
      %sign3A_75 = arith.constant 0 : i32
      %sign3A_76 = arith.cmpi slt, %scan3A_38, %sign3A_75 : i32
      %sign3A_77 = arith.extui %sign3A_76 : i1 to i32
      %sign3A_78 = arith.subi %sign3A_74, %sign3A_77 : i32
      %sign3A_79 = arith.constant 0 : i32
      %sign3A_80 = arith.cmpi sgt, %jit3A_72, %sign3A_79 : i32
      %sign3A_81 = arith.extui %sign3A_80 : i1 to i32
      %sign3A_82 = arith.constant 0 : i32
      %sign3A_83 = arith.cmpi slt, %jit3A_72, %sign3A_82 : i32
      %sign3A_84 = arith.extui %sign3A_83 : i1 to i32
      %sign3A_85 = arith.subi %sign3A_81, %sign3A_84 : i32
      %ne3A_86 = arith.cmpi ne, %sign3A_78, %sign3A_85 : i32
      %rem3A_87 = arith.remsi %scan3A_38, %jit3A_72 : i32
      %ne3A_88 = arith.constant 0 : i32
      %ne3A_89 = arith.cmpi ne, %rem3A_87, %ne3A_88 : i32
      %and3A_90 = arith.andi %ne3A_86, %ne3A_89 : i1
      %sub3A = arith.constant 1 : i32
      %sub3A_91 = arith.subi %div3A, %sub3A : i32
      %select_n3A_92 = arith.select %and3A_90, %sub3A_91, %div3A : i32
      %eq3A_93 = vector.broadcast %select_n3A_92 : i32 to vector<1024x16xi32>
      %eq3A_94 = arith.cmpi eq, %iota3A_23, %eq3A_93 : vector<1024x16xi32>
      %and3A_95 = vector.broadcast %eq3A_71 : i1 to vector<1024x16xi1>
      %and3A_96 = arith.andi %and3A_95, %eq3A_94 : vector<1024x16xi1>
      %broadcast_in_dim3A_97 = vector.shape_cast %broadcast_in_dim3A_50 : vector<1024x1xi32> to vector<1024x1xi32>
      %broadcast_in_dim3A_98 = vector.broadcast %broadcast_in_dim3A_97 : vector<1024x1xi32> to vector<1024x16xi32>
      %select_n3A_99 = arith.select %and3A_96, %broadcast_in_dim3A_98, %scan3A_39 : vector<1024x16xi1>, vector<1024x16xi32>
      scf.yield %select_n3A_99 : vector<1024x16xi32>
    }
    %scan3A_31 = arith.constant 31 : i32
    %swap3A_32 = arith.constant 0 : index
    %swap3A_33 = arith.constant 0 : index
    %swap3A_34 = arith.constant 0 : index
    %swap3A_35 = vector.load %arg4[%swap3A_32, %swap3A_33, %swap3A_34] : memref<1x1024x16xi32, #tpu.memory_space<vmem>>, vector<1x1024x16xi32>
    %swap3A_36 = vector.shape_cast %swap3A_35 : vector<1x1024x16xi32> to vector<1024x16xi32>
    %swap3A_37 = vector.shape_cast %scan3A_30 : vector<1024x16xi32> to vector<1x1024x16xi32>
    tpu.vector_store %arg4[%swap3A_32, %swap3A_33, %swap3A_34], %swap3A_37 {strides = array<i32>} : memref<1x1024x16xi32, #tpu.memory_space<vmem>>, vector<1x1024x16xi32>,
    return
  }
  func.func @transform_0(%arg0: i32, %arg1: i32) -> (i32, i32, i32) {
    %c0_i32 = arith.constant 0 : i32
    %c0_i32_0 = arith.constant 0 : i32
    return %arg0, %arg1, %c0_i32 : i32, i32, i32
  }
  func.func @transform_1(%arg0: i32, %arg1: i32) -> (i32, i32, i32) {
    %c0_i32 = arith.constant 0 : i32
    %c0_i32_0 = arith.constant 0 : i32
    %c0_i32_1 = arith.constant 0 : i32
    return %arg0, %c0_i32, %c0_i32_0 : i32, i32, i32
  }
  func.func @transform_2(%arg0: i32, %arg1: i32) -> (i32, i32, i32) {
    %c0_i32 = arith.constant 0 : i32
    %c0_i32_0 = arith.constant 0 : i32
    return %arg0, %arg1, %c0_i32 : i32, i32, i32
  }
}

</mosaic_0001>

<sc_bundles>
// kernel: kernel.4.cloned.1.call-start
scs
__scs_entry_jumppad:
0x0: {  	(pc) =	sbr.rel $0x88, $3  }
0x1: {  	(tag) =	ssettag $0x0;
	lr =	simm.s32 $0x1  }
0x2: {  	[smem:$0x3F9F] =	sst lr;
	_ =	strace $0xD0000000  }
0x3: {  	_ = 	snop  }
0x4: {  	_ = 	snop  }
0x5: {  	_ = 	snop  }
0x6: {  	_ = 	snop  }
0x7: {  	_ = 	snop  }
__scs_overlays_trampoline_lowered:
0x8: {  	[smem:$0x3FAE] =	sst s0  }
0x9: {  	[smem:$0x3FAF] =	sst s1  }
0xa: {  	[smem:$0x3FB0] =	sst s2  }
0xb: {  	[smem:$0x3FB1] =	sst s3  }
0xc: {  	[smem:$0x3FB2] =	sst s4  }
0xd: {  	[smem:$0x3FB3] =	sst s5  }
0xe: {  	[smem:$0x3FB4] =	sst s6  }
0xf: {  	[smem:$0x3FB5] =	sst s7  }
0x10: {  	[smem:$0x3FB6] =	sst s8  }
0x11: {  	[smem:$0x3FB7] =	sst s9;
	s0 =	simm.s32 @!p0 $0x0  }
0x12: {  	s1 =	sld [smem:$0x3F9D];
	s0 =	simm.s32 @p0 $0x1  }
0x13: {  	[smem:$0x3FB8] =	sst s0;
	s0 =	simm.s32 @!p1 $0x0  }
0x14: {  	s2 =	sld [smem:$0x3F9C];
	s0 =	simm.s32 @p1 $0x1  }
0x15: {  	[smem:$0x3FB9] =	sst s0;
	s0 =	simm.s32 @!p2 $0x0  }
0x16: {  	s3 =	sld [smem:$0x3FDB];
	s0 =	simm.s32 @p2 $0x1  }
0x17: {  	s4 =	simm.s32 $0x1BF5;
	[smem:$0x3FBB] =	sst s0  }
0x18: {  	s0 =	sld [smem:$0x3F9E];
	_ =	swait.ge [sflag:s4], $0x0  }
0x19: {  	s7 =	sld [smem:$0x3F9F]  }
0x1a: {  	s8 =	sadd.s32 $0xFFFFE003, lr  }
0x1b: {  	s9 =	sadd.s32 $0xFFFFFEF7, lr;
	s5 =	simm.s32 $0xFFFFFFFF;
	p2 =	slt.u32 s8, $0xFFFFF086  }
0x1c: {  	p1 =	slt.u32 s9, $0xF7A;
	s5 =	simm.s32 @!p2 $0x0  }
0x1d: {  	s5 =	simm.s32 @p1 $0x1;
	p0 =	seq.s32 s7, s2  }
0x1e: {  	s7 =	smul.u32 @!p0 $0xF7A, s2;
	p2 =	seq.s32 @!p0 s5, $0x0  }
0x1f: {  	s9 =	smul.u32 $0xF7A, s1;
	s8 =	simm.s32 @!p0 $0x1BF5;
	p2 =	por !p2, p0  }
0x20: {  	[sflag:s8] =	ssyncset.s32 @!p0 $0xFFFFF086;
	s6 =	sadd.s32 @!p0 s3, s7;
	s7 =	simm.s32 @!p0 $0x108  }
0x21: {  	s3 =	sadd.s32 s3, s9;
	s6 =	sadd.s32 @!p0 $0x88, s6;
	s7 =	simm.s32 @p2 $0x1082  }
0x22: {  	[simem:s7], [sflag:s8] =	dma.local @!p0 [hbm:s6], $0xF7A  }
0x23: {  	s9 =	sor.u32 $0xD0000000, s2;
	s6 =	simm.s32 $0x108;
	_ =	swait.ge @!p0 [sflag:s8], $0x0  }
0x24: {  	s3 =	sadd.s32 $0x88, s3;
	s6 =	simm.s32 @!p1 $0x1082;
	[sflag:s4] =	ssyncset.s32 $0xFFFFF086  }
0x25: {  	[simem:s6], [sflag:s4] =	dma.local [hbm:s3], $0xF7A  }
0x26: {  	[smem:$0x3F9F] =	sst s1;
	(tag) =	ssettag s2;
	_ =	strace s9  }
0x27: {  	s1 =	sld [smem:$0x3FAF]  }
0x28: {  	s2 =	sld [smem:$0x3FB0]  }
0x29: {  	s4 =	sld [smem:$0x3FB2]  }
0x2a: {  	p0 =	seq.s32 s5, $0x0;
	s5 =	sld [smem:$0x3FB3]  }
0x2b: {  	s6 =	sld [smem:$0x3FB4]  }
0x2c: {  	s7 =	sld [smem:$0x3FB5]  }
0x2d: {  	s3 =	simm.s32 $0x108;
	s8 =	sld [smem:$0x3FB6]  }
0x2e: {  	s3 =	simm.s32 @!p0 $0x1082;
	s9 =	sld [smem:$0x3FB7]  }
0x2f: {  	lr =	sadd.s32 s0, s3;
	s0 =	sld [smem:$0x3FAE]  }
0x30: {  	s3 =	sld [smem:$0x3FB1]  }
0x31: {  	[smem:$0x3FBA] =	sst s10  }
0x32: {  	s10 =	sld [smem:$0x3FB8];
	_ =	sdelay $0x3  }
0x33: {  	p0 =	seq.s32 s10, $0x1;
	s10 =	sld [smem:$0x3FBA];
	_ =	sdelay $0x3  }
0x34: {  	[smem:$0x3FBA] =	sst s10  }
0x35: {  	s10 =	sld [smem:$0x3FB9];
	_ =	sdelay $0x3  }
0x36: {  	p1 =	seq.s32 s10, $0x1;
	s10 =	sld [smem:$0x3FBA];
	_ =	sdelay $0x3  }
0x37: {  	[smem:$0x3FBA] =	sst s10  }
0x38: {  	s10 =	sld [smem:$0x3FBB]  }
0x39: {  	_ = 	snop;
	(pc) =	sbr.ind lr, $3  }
0x3a: {  	_ = 	snop  }
0x3b: {  	_ = 	snop  }
0x3c: {  	p2 =	seq.s32 s10, $0x1;
	s10 =	sld [smem:$0x3FBA]  }
0x3d: {  	_ =	shalt  }
0x3e: {  	_ =	shalt  }
0x3f: {  	_ =	shalt  }
0x40: {  	_ =	shalt  }
0x41: {  	_ =	shalt  }
0x42: {  	_ =	shalt  }
0x43: {  	_ =	shalt  }
0x44: {  	_ =	shalt  }
0x45: {  	_ =	shalt  }
0x46: {  	_ =	shalt  }
0x47: {  	_ =	shalt  }
0x48: {  	_ =	shalt  }
0x49: {  	_ =	shalt  }
0x4a: {  	_ =	shalt  }
0x4b: {  	_ =	shalt  }
0x4c: {  	_ =	shalt  }
0x4d: {  	_ =	shalt  }
0x4e: {  	_ =	shalt  }
0x4f: {  	_ =	shalt  }
0x50: {  	_ =	shalt  }
0x51: {  	_ =	shalt  }
0x52: {  	_ =	shalt  }
0x53: {  	_ =	shalt  }
0x54: {  	_ =	shalt  }
0x55: {  	_ =	shalt  }
0x56: {  	_ =	shalt  }
0x57: {  	_ =	shalt  }
0x58: {  	_ =	shalt  }
0x59: {  	_ =	shalt  }
0x5a: {  	_ =	shalt  }
0x5b: {  	_ =	shalt  }
0x5c: {  	_ =	shalt  }
0x5d: {  	_ =	shalt  }
0x5e: {  	_ =	shalt  }
0x5f: {  	_ =	shalt  }
0x60: {  	_ =	shalt  }
0x61: {  	_ =	shalt  }
0x62: {  	_ =	shalt  }
0x63: {  	_ =	shalt  }
0x64: {  	_ =	shalt  }
0x65: {  	_ =	shalt  }
0x66: {  	_ =	shalt  }
0x67: {  	_ =	shalt  }
0x68: {  	_ =	shalt  }
0x69: {  	_ =	shalt  }
0x6a: {  	_ =	shalt  }
0x6b: {  	_ =	shalt  }
0x6c: {  	_ =	shalt  }
0x6d: {  	_ =	shalt  }
0x6e: {  	_ =	shalt  }
0x6f: {  	_ =	shalt  }
0x70: {  	_ =	shalt  }
0x71: {  	_ =	shalt  }
0x72: {  	_ =	shalt  }
0x73: {  	_ =	shalt  }
0x74: {  	_ =	shalt  }
0x75: {  	_ =	shalt  }
0x76: {  	_ =	shalt  }
0x77: {  	_ =	shalt  }
0x78: {  	_ =	shalt  }
0x79: {  	_ =	shalt  }
0x7a: {  	_ =	shalt  }
0x7b: {  	_ =	shalt  }
0x7c: {  	_ =	shalt  }
0x7d: {  	_ =	shalt  }
0x7e: {  	_ =	shalt  }
0x7f: {  	_ =	shalt  }
0x80: {  	_ =	shalt  }
0x81: {  	_ =	shalt  }
0x82: {  	_ =	shalt  }
0x83: {  	_ =	shalt  }
0x84: {  	_ =	shalt  }
0x85: {  	_ =	shalt  }
0x86: {  	_ =	shalt  }
0x87: {  	_ =	shalt  }
.Lfunc_end0:
.L_simem_size_0:
called_computation_lowered:
.L_overlay_start_0:
0x88: {  	s2 =	sld [smem:$0x3FD9]  }
0x89: {  	s3 =	sld [smem:$0x3FFE];
	_ =	sdelay $0x1  }
0x8a: {  	s1 =	srdreg.scid  }
0x8b: {  	s0 =	sand.u32 $0x1, s1  }
0x8c: {  	s17 =	sshll.u32 s0, $0xA;
	s2 =	sadd.s32 s3, s2  }
0x8d: {  	s2 =	sadd.s32 s2, s17  }
0x8e: {  	[smem:$0x3FC6] =	sst s2  }
0x8f: {  	_ = 	snop  }
0x90: {  	s2 =	sld [smem:$0x3FD0];
	(tm) =	ssettm $0x1  }
0x91: {  	s18 =	sld [smem:$0x3FFB];
	_ =	sdelay $0x3  }
0x92: {  	_ =	strace s18  }
0x93: {  	s3 =	sld [smem:$0x3FFC];
	_ =	sdelay $0x3  }
0x94: {  	_ =	strace s3  }
0x95: {  	s3 =	sld [smem:$0x3FFD];
	_ =	sdelay $0x3  }
0x96: {  	_ =	strace s3  }
0x97: {  	_ =	strace $0x8FFFFFFF  }
0x98: {  	s19 =	sld [smem:$0x3FDB];
	_ =	sdelay $0x1  }
0x99: {  	s4 =	simm.s32 $_scs_section_size  }
0x9a: {  	s5 =	simm.s32 $_size__tile_overlayer_lowered;
	s6 =	simm.s32 $_tile_overlayer_lowered  }
0x9b: {  	s22 =	simm.s32 $0x1BFF;
	s21 =	sshll.u32 s6, $0x1;
	s3 =	sadd.s32 s4, s19  }
0x9c: {  	s7 =	simm.s32 $0x0;
	s20 =	sshll.u32 s5, $0x1;
	s5 =	sadd.s32 s21, s3  }
0x9d: {  	[timem:s7], [sflag:s22] =	dma.local [hbm:s5], s20  }
0x9e: {  	_ =	swait.ge [sflag:s22], s20  }
0x9f: {  	s4 =	ssub.s32 $0x0, s20;
	[sflag:s22] =	ssyncset.done $0x0  }
0xa0: {  	[sflag:s22] =	ssyncadd.s32 s4;
	_ =	sdelay $0x1  }
0xa1: {  	s23 =	simm.s32 $0x1B8B  }
0xa2: {  	_ =	swait.ge [sflag:s23], $0x1  }
0xa3: {  	[sflag:s23] =	ssyncset.done $0x0  }
0xa4: {  	s25 =	simm.s32 $0x1B8E;
	s24 =	sld [smem:$0x3FFE];
	[sflag:s23] =	ssyncadd.s32 $0xFFFFFFFF  }
0xa5: {  	s26 =	simm.s32 $execute0_lowered;
	[smem:$0x3FD2] =	sst s25  }
0xa6: {  	s5 =	sshll.u32 s26, $0x1;
	_ =	strace $0x80000046;
	[dreg:$0x1] =	wrdreg $0xFFFFFFFF  }
0xa7: {  	s28 =	simm.s32 $_size_execute0_lowered;
	s3 =	sadd.s32 s3, s5;
	[dreg:$0x0] =	wrdreg $0x0  }
0xa8: {  	s5 =	sshll.u32 s28, $0x1;
	[dreg:$0x2] =	wrdreg s3  }
0xa9: {  	[dreg:$0x3] =	wrdreg s5  }
0xaa: {  	[dreg:$0x4] =	wrdreg $0xC0  }
0xab: {  	_ =	task [dreg:s7], $0x5FFFF  }
0xac: {  	[dreg:$0x1] =	wrdreg $0xFFFFFFFF  }
0xad: {  	[dreg:$0x0] =	wrdreg $0x60  }
0xae: {  	[dreg:$0x2] =	wrdreg s24  }
0xaf: {  	[dreg:$0x3] =	wrdreg s2  }
0xb0: {  	[dreg:$0x4] =	wrdreg $0x9  }
0xb1: {  	_ =	task.clear_ibuf [dreg:s7], $0x5FFFF;
	_ =	strace $0x90000046  }
0xb2: {  	s29 =	simm.s32 $0x9;
	_ =	strace $0x80000048  }
0xb3: {  	_ =	swait.ge [sflag:s29], $0x1  }
0xb4: {  	[sflag:s29] =	ssyncadd.s32 $0xFFFFFFFF  }
0xb5: {  	_ =	strace $0x90000048  }
0xb6: {  	_ =	sfence  }
0xb7: {  	s30 =	sld [smem:$0x0];
	_ =	sdelay $0x2  }
0xb8: {  	s31 =	sshll.u32 s1, $0xD;
	s1 =	sshrl.u32 s1, $0x2  }
0xb9: {  	s3 =	sand.u32 $0x4000, s31;
	s1 =	sadd.s32 s1, s30  }
0xba: {  	s0 =	sor.u32 s3, s0;
	s1 =	sshll.u32 s1, $0x11  }
0xbb: {  	s0 =	sor.u32 s1, s0  }
0xbc: {  	s0 =	sadd.s32 $0x8F2B, s0  }
0xbd: {  	[sflag:s0] =	ssyncadd.remote.s32 $0x1  }
0xbe: {  	_ =	sfence.sel $0xFFFF  }
0xbf: {  	[dreg:$0x0] =	wrdreg $0xFFFFFFFF;
	(pc) =	sbr.abs _section_cstart, $3  }
0xc0: {  	[dreg:$0x1] =	wrdreg $0xFFFFFFFF  }
0xc1: {  	_ =	task.clear_ibuf [dreg:s7], $0x2FFFF;
	_ =	strace $0x9FFFFFFF  }
0xc2: {  	(tm) =	ssettm $0x7FFFFFFF  }
0xc3: {  	_ =	shalt  }
tec
execute0_lowered:
.L_overlay_start_1:
0x0: {  	(tag) =	ssettag $0x1  }
0x1: {  	s4 =	rddreg [dreg:$0x0]  }
0x2: {  	s5 =	rddreg [dreg:$0x1]  }
0x3: {  	s0 =	rddreg [dreg:$0x2]  }
0x4: {  	s3 =	srdreg.scid;
	s1 =	stileid.u32;
	s2 =	simm.s32 $0x0  }
0x5: {  	s15 =	simm.s32 $0xE000;
	s16 =	simm.s32 $0x0;
	s6 =	sand.u32 $0x1, s3  }
0x6: {  	s29 =	sshll.u32 s1, $0x1;
	[smem:$0x7FF] =	sst s2;
	s3 =	sadd.s32 $0x600, s4  }
0x7: {  	s10 =	sshll.u32 s1, $0xA;
	s11 =	smul.u32 $0xC00, s1;
	s7 =	sor.u32 s6, s29  }
0x8: {  	_ =	strace $0x80000047;
	s30 =	ssub.s32 $0x2, s6;
	s31 =	sand.u32 $0x3800, s10  }
0x9: {  	s12 =	sshll.u32 s6, $0x9;
	s13 =	smul.u32 $0x600, s6;
	s8 =	sshll.u32 s7, $0xA  }
0xa: {  	v0 =	vlaneseq.u32;
	s9 =	sshrl.u32 s30, $0x1;
	s7 =	smul.u32 $0x14000, s7;
	s10 =	sor.u32 s12, s10  }
0xb: {  	v0 =	vmul.u32 $0xA, v0;
	s4 =	sadd.s32 s8, s4;
	s9 =	ssub.s32 s30, s9;
	s14 =	smul.u32 $0x3, s10  }
0xc: {  	v1 =	vmov s31;
	s10 =	sadd.s32 s13, s11;
	s4 =	sadd.s32 $0x1E00, s4;
	s7 =	sshrl.u32 s7, $0x3  }
0xd: {  	v2 =	vor.u32 $0x1, v0;
	v3 =	vadd.s32 $0x2, v0;
	v4 =	vadd.s32 $0x3, v0;
	s9 =	smax.u32 s9, $0x1;
	s5 =	sadd.s32 s5, s7;
	s11 =	sor.u32 $0x180, s14  }
0xe: {  	v5 =	vadd.s32 $0x4, v0;
	v6 =	vadd.s32 $0x5, v0;
	v7 =	vadd.s32 $0x6, v0;
	s12 =	sadd.s32 $0x300, s14;
	s13 =	sadd.s32 $0x480, s14;
	s14 =	simm.s32 $0x1  }
0xf: {  	v8 =	vadd.s32 $0x7, v0;
	v9 =	vadd.s32 $0x8, v0;
	v10 =	vadd.s32 $0x9, v0;
	s6 =	sadd.s32 $0xA00, s5;
	s7 =	sadd.s32 $0x1400, s5;
	s8 =	sadd.s32 $0x1E00, s5  }
.LBB2_1:
0x10: {  	[tilespmem:s2], [sflag:$0x1] =	stream.linear.gather [hbm4b:s3+s2], $0xC000, $0x38;
	[tilespmem:$0x13000] =	vst v63  }
0x11: {  	_ =	swait.ge [sflag:s14], $0xC000  }
0x12: {  	[sflag:s14] =	ssyncset.done $0x0  }
0x13: {  	s17 =	simm.s32 $0xC000;
	[sflag:s14] =	ssyncadd.s32 $0xFFFF4000  }
0x14: {  	[tilespmem:s17], [sflag:$0x1] =	stream.linear.gather [hbm4b:s4+s2], $0x2000, $0x38;
	[tilespmem:$0x13000] =	vst v63  }
0x15: {  	_ =	swait.ge [sflag:s14], $0x2000  }
0x16: {  	[sflag:s14] =	ssyncset.done $0x0  }
0x17: {  	[sflag:s14] =	ssyncadd.s32 $0xFFFFE000  }
0x18: {  	v11 =	vld [tilespmem:s17+$0x0];
	_ =	sdelay $0x4  }
0x19: {  	v12 =	vmov s10;
	v11 =	vadd.s32 v1, v11  }
0x1a: {  	v13 =	vadd.s32 $0x1, v12;
	v11 =	vmul.u32 $0x3, v11;
	_ =	sdelay $0x1  }
0x1b: {  	v14 =	vadd.s32 $0x1, v11  }
0x1c: {  	v15 =	vadd.s32 $0x2, v12  }
0x1d: {  	v17 =	vld.idx.msk [tilespmem:v12+s2+$0x0], $0xffff;
	v16 =	vadd.s32 $0x2, v11  }
0x1e: {  	v19 =	vld.idx.msk [tilespmem:v13+s2+$0x0], $0xffff  }
0x1f: {  	v13 =	vld.idx.msk [tilespmem:v11+s2+$0x0], $0xffff  }
0x20: {  	v11 =	vld.idx.msk [tilespmem:v14+s2+$0x0], $0xffff  }
0x21: {  	v14 =	vld.idx.msk [tilespmem:v15+s2+$0x0], $0xffff  }
0x22: {  	v12 =	vld.idx.msk [tilespmem:v16+s2+$0x0], $0xffff;
	_ =	sdelay $0x2  }
0x23: {  	v15 =	vsub.f32 v17, v13;
	v16 =	vsub.f32 v19, v11;
	_ =	sdelay $0x1  }
0x24: {  	v18 =	vsub.f32 v14, v12;
	v20 =	vmul.f32 v15, v15;
	v21 =	vmul.f32 v16, v16;
	_ =	sdelay $0x1  }
0x25: {  	v22 =	vmul.f32 v18, v18;
	v20 =	vadd.f32 v21, v20;
	_ =	sdelay $0x1  }
0x26: {  	v20 =	vadd.f32 v22, v20;
	_ =	sdelay $0x1  }
0x27: {  	v61 =	vshra.s32 v20, $0x1;
	v22 =	vmul.f32 $5.000000000e-01, v20  }
0x28: {  	v21 =	vsub.s32 $0x5F3759DF, v61  }
0x29: {  	v23 =	vmul.f32 v21, v22;
	_ =	sdelay $0x1  }
0x2a: {  	v23 =	vmul.f32 v21, v23;
	_ =	sdelay $0x1  }
0x2b: {  	v23 =	vsub.f32 $1.500000000e+00, v23;
	_ =	sdelay $0x1  }
0x2c: {  	v21 =	vmul.f32 v21, v23;
	_ =	sdelay $0x1  }
0x2d: {  	v23 =	vmul.f32 v21, v22;
	_ =	sdelay $0x1  }
0x2e: {  	v23 =	vmul.f32 v23, v21;
	_ =	sdelay $0x1  }
0x2f: {  	v23 =	vsub.f32 $1.500000000e+00, v23;
	_ =	sdelay $0x1  }
0x30: {  	v21 =	vmul.f32 v23, v21;
	_ =	sdelay $0x1  }
0x31: {  	v22 =	vmul.f32 v21, v22;
	_ =	sdelay $0x1  }
0x32: {  	v22 =	vmul.f32 v22, v21;
	_ =	sdelay $0x1  }
0x33: {  	v22 =	vsub.f32 $1.500000000e+00, v22;
	_ =	sdelay $0x1  }
0x34: {  	v62 =	vadd.s32 s2, v0;
	v21 =	vmul.f32 v22, v21  }
0x35: {  	v63 =	vadd.s32 s2, v2  }
0x36: {  	v24 =	vadd.s32 s2, v3;
	v21 =	vmul.f32 v21, v20  }
0x37: {  	vm0 =	vgt.f32 v20, $0.0e+00;
	v20 =	vadd.s32 s2, v4  }
0x38: {  	v25 =	vadd.s32 s2, v5;
	v21 =	vnsel vm0, $0x0, v21  }
0x39: {  	[tilespmem:v62+s15+$0x0] =	vst.idx.msk $0xffff, v21  }
0x3a: {  	[tilespmem:v63+s15+$0x0] =	vst.idx.msk $0xffff, v15  }
0x3b: {  	v26 =	vadd.s32 s2, v6;
	[tilespmem:v24+s15+$0x0] =	vst.idx.msk $0xffff, v16  }
0x3c: {  	v15 =	vadd.s32 s2, v7;
	[tilespmem:v20+s15+$0x0] =	vst.idx.msk $0xffff, v18  }
0x3d: {  	[tilespmem:v25+s15+$0x0] =	vst.idx.msk $0xffff, v17;
	v17 =	vadd.s32 s2, v8  }
0x3e: {  	v16 =	vadd.s32 s2, v9  }
0x3f: {  	v18 =	vadd.s32 s2, v10  }
0x40: {  	s18 =	simm.s32 $0xA0;
	s19 =	smov.u32 s10;
	[tilespmem:v26+s15+$0x0] =	vst.idx.msk $0xffff, v19  }
.LBB2_2:
0x41: {  	p0 =	sne.s32 s18, $0x4F60;
	[tilespmem:v15+s15+$0x0] =	vst.idx.msk $0xffff, v14;
	s17 =	sadd.s32 $0x10, s17;
	s19 =	sadd.s32 $0x3, s19  }
0x42: {  	s20 =	smov.u32 s18;
	s18 =	sadd.s32 $0xA0, s18;
	[tilespmem:v17+s15+$0x0] =	vst.idx.msk $0xffff, v13  }
0x43: {  	[tilespmem:v16+s15+$0x0] =	vst.idx.msk $0xffff, v11  }
0x44: {  	[tilespmem:v18+s15+$0x0] =	vst.idx.msk $0xffff, v12  }
0x45: {  	v11 =	vld [tilespmem:s17+$0x0];
	_ =	sdelay $0x3  }
0x46: {  	v12 =	vmov s19  }
0x47: {  	v13 =	vadd.s32 $0x1, v12;
	v14 =	vadd.s32 $0x2, v12;
	v11 =	vadd.s32 v1, v11  }
0x48: {  	v11 =	vmul.u32 $0x3, v11;
	_ =	sdelay $0x1  }
0x49: {  	v15 =	vadd.s32 $0x1, v11  }
0x4a: {  	v16 =	vadd.s32 $0x2, v11;
	v19 =	vld.idx.msk [tilespmem:v12+s2+$0x0], $0xffff  }
0x4b: {  	v14 =	vld.idx.msk [tilespmem:v14+s2+$0x0], $0xffff  }
0x4c: {  	v20 =	vld.idx.msk [tilespmem:v13+s2+$0x0], $0xffff  }
0x4d: {  	v13 =	vld.idx.msk [tilespmem:v11+s2+$0x0], $0xffff  }
0x4e: {  	v11 =	vld.idx.msk [tilespmem:v15+s2+$0x0], $0xffff  }
0x4f: {  	v12 =	vld.idx.msk [tilespmem:v16+s2+$0x0], $0xffff;
	_ =	sdelay $0x3  }
0x50: {  	v16 =	vsub.f32 v19, v13  }
0x51: {  	v18 =	vsub.f32 v20, v11  }
0x52: {  	v21 =	vsub.f32 v14, v12;
	v15 =	vmul.f32 v16, v16  }
0x53: {  	v17 =	vmul.f32 v18, v18  }
0x54: {  	v22 =	vmul.f32 v21, v21  }
0x55: {  	v15 =	vadd.f32 v17, v15;
	_ =	sdelay $0x1  }
0x56: {  	v15 =	vadd.f32 v22, v15;
	_ =	sdelay $0x1  }
0x57: {  	v17 =	vshra.s32 v15, $0x1;
	v22 =	vmul.f32 $5.000000000e-01, v15  }
0x58: {  	v17 =	vsub.s32 $0x5F3759DF, v17  }
0x59: {  	v23 =	vmul.f32 v17, v22;
	_ =	sdelay $0x1  }
0x5a: {  	v23 =	vmul.f32 v17, v23;
	_ =	sdelay $0x1  }
0x5b: {  	v23 =	vsub.f32 $1.500000000e+00, v23;
	_ =	sdelay $0x1  }
0x5c: {  	v17 =	vmul.f32 v17, v23;
	_ =	sdelay $0x1  }
0x5d: {  	v23 =	vmul.f32 v17, v22;
	_ =	sdelay $0x1  }
0x5e: {  	v23 =	vmul.f32 v23, v17;
	_ =	sdelay $0x1  }
0x5f: {  	v23 =	vsub.f32 $1.500000000e+00, v23;
	_ =	sdelay $0x1  }
0x60: {  	v17 =	vmul.f32 v23, v17;
	_ =	sdelay $0x1  }
0x61: {  	v22 =	vmul.f32 v17, v22;
	_ =	sdelay $0x1  }
0x62: {  	v22 =	vmul.f32 v22, v17;
	_ =	sdelay $0x1  }
0x63: {  	v22 =	vsub.f32 $1.500000000e+00, v22  }
0x64: {  	v23 =	vadd.s32 s20, v0  }
0x65: {  	v17 =	vmul.f32 v22, v17;
	v22 =	vadd.s32 s20, v2  }
0x66: {  	v24 =	vadd.s32 s20, v3  }
0x67: {  	v25 =	vadd.s32 s20, v4;
	vm0 =	vgt.f32 v15, $0.0e+00;
	v15 =	vmul.f32 v17, v15  }
0x68: {  	v26 =	vadd.s32 s20, v5  }
0x69: {  	v27 =	vadd.s32 s20, v6;
	v15 =	vnsel vm0, $0x0, v15  }
0x6a: {  	[tilespmem:v23+s15+$0x0] =	vst.idx.msk $0xffff, v15;
	v15 =	vadd.s32 s20, v7  }
.Ltmp0:
0x6b: {  	v17 =	vadd.s32 s20, v8;
	[tilespmem:v22+s15+$0x0] =	vst.idx.msk $0xffff, v16;
	(pc) =	sbr.rel @p0 .LBB2_2-.Ltmp0, $4  }
0x6c: {  	v16 =	vadd.s32 s20, v9;
	[tilespmem:v24+s15+$0x0] =	vst.idx.msk $0xffff, v18  }
0x6d: {  	v18 =	vadd.s32 s20, v10;
	[tilespmem:v25+s15+$0x0] =	vst.idx.msk $0xffff, v21  }
0x6e: {  	[tilespmem:v26+s15+$0x0] =	vst.idx.msk $0xffff, v19  }
0x6f: {  	[tilespmem:v27+s15+$0x0] =	vst.idx.msk $0xffff, v20  }
0x70: {  	_ =	sdelay $0x3  }
0x71: {  	[tilespmem:v15+s15+$0x0] =	vst.idx.msk $0xffff, v14  }
0x72: {  	[tilespmem:v17+s15+$0x0] =	vst.idx.msk $0xffff, v13  }
0x73: {  	[tilespmem:v16+s15+$0x0] =	vst.idx.msk $0xffff, v11  }
0x74: {  	s19 =	simm.s32 $0x0;
	[tilespmem:v18+s15+$0x0] =	vst.idx.msk $0xffff, v12  }
0x75: {  	[hbm4b:s5+s19] =	stream.linear.scatter [tilespmem:s15], [sflag:$0x1], $0x5000, $0x38;
	[tilespmem:$0x13000] =	vst v63  }
0x76: {  	_ =	swait.ge [sflag:s14], $0x5000  }
0x77: {  	[sflag:s14] =	ssyncset.done $0x0  }
0x78: {  	s17 =	simm.s32 $0xC800;
	[sflag:s14] =	ssyncadd.s32 $0xFFFFB000  }
0x79: {  	v11 =	vld [tilespmem:s17+$0x0];
	_ =	sdelay $0x4  }
0x7a: {  	v12 =	vmov s11;
	v11 =	vadd.s32 v1, v11  }
0x7b: {  	v13 =	vadd.s32 $0x1, v12;
	v11 =	vmul.u32 $0x3, v11;
	_ =	sdelay $0x1  }
0x7c: {  	v14 =	vadd.s32 $0x1, v11  }
0x7d: {  	v15 =	vadd.s32 $0x2, v12  }
0x7e: {  	v17 =	vld.idx.msk [tilespmem:v12+s2+$0x0], $0xffff;
	v16 =	vadd.s32 $0x2, v11  }
0x7f: {  	v19 =	vld.idx.msk [tilespmem:v13+s2+$0x0], $0xffff  }
0x80: {  	v13 =	vld.idx.msk [tilespmem:v11+s2+$0x0], $0xffff  }
0x81: {  	v11 =	vld.idx.msk [tilespmem:v14+s2+$0x0], $0xffff  }
0x82: {  	v14 =	vld.idx.msk [tilespmem:v15+s2+$0x0], $0xffff  }
0x83: {  	v12 =	vld.idx.msk [tilespmem:v16+s2+$0x0], $0xffff;
	_ =	sdelay $0x2  }
0x84: {  	v15 =	vsub.f32 v17, v13;
	v16 =	vsub.f32 v19, v11;
	_ =	sdelay $0x1  }
0x85: {  	v18 =	vsub.f32 v14, v12;
	v20 =	vmul.f32 v15, v15;
	v21 =	vmul.f32 v16, v16;
	_ =	sdelay $0x1  }
0x86: {  	v22 =	vmul.f32 v18, v18;
	v20 =	vadd.f32 v21, v20;
	_ =	sdelay $0x1  }
0x87: {  	v20 =	vadd.f32 v22, v20;
	_ =	sdelay $0x1  }
0x88: {  	v61 =	vshra.s32 v20, $0x1;
	v22 =	vmul.f32 $5.000000000e-01, v20  }
0x89: {  	v21 =	vsub.s32 $0x5F3759DF, v61  }
0x8a: {  	v23 =	vmul.f32 v21, v22;
	_ =	sdelay $0x1  }
0x8b: {  	v23 =	vmul.f32 v21, v23;
	_ =	sdelay $0x1  }
0x8c: {  	v23 =	vsub.f32 $1.500000000e+00, v23;
	_ =	sdelay $0x1  }
0x8d: {  	v21 =	vmul.f32 v21, v23;
	_ =	sdelay $0x1  }
0x8e: {  	v23 =	vmul.f32 v21, v22;
	_ =	sdelay $0x1  }
0x8f: {  	v23 =	vmul.f32 v23, v21;
	_ =	sdelay $0x1  }
0x90: {  	v23 =	vsub.f32 $1.500000000e+00, v23;
	_ =	sdelay $0x1  }
0x91: {  	v21 =	vmul.f32 v23, v21;
	_ =	sdelay $0x1  }
0x92: {  	v22 =	vmul.f32 v21, v22;
	_ =	sdelay $0x1  }
0x93: {  	v22 =	vmul.f32 v22, v21;
	_ =	sdelay $0x1  }
0x94: {  	v22 =	vsub.f32 $1.500000000e+00, v22;
	_ =	sdelay $0x1  }
0x95: {  	v62 =	vadd.s32 s19, v0;
	v21 =	vmul.f32 v22, v21  }
0x96: {  	v63 =	vadd.s32 s19, v2  }
0x97: {  	v24 =	vadd.s32 s19, v3;
	v21 =	vmul.f32 v21, v20  }
0x98: {  	vm0 =	vgt.f32 v20, $0.0e+00;
	v20 =	vadd.s32 s19, v4  }
0x99: {  	v25 =	vadd.s32 s19, v5;
	v21 =	vnsel vm0, $0x0, v21  }
0x9a: {  	[tilespmem:v62+s15+$0x0] =	vst.idx.msk $0xffff, v21  }
0x9b: {  	[tilespmem:v63+s15+$0x0] =	vst.idx.msk $0xffff, v15  }
0x9c: {  	v26 =	vadd.s32 s19, v6;
	[tilespmem:v24+s15+$0x0] =	vst.idx.msk $0xffff, v16  }
0x9d: {  	v15 =	vadd.s32 s19, v7;
	[tilespmem:v20+s15+$0x0] =	vst.idx.msk $0xffff, v18  }
0x9e: {  	[tilespmem:v25+s15+$0x0] =	vst.idx.msk $0xffff, v17;
	v17 =	vadd.s32 s19, v8  }
0x9f: {  	v16 =	vadd.s32 s19, v9  }
0xa0: {  	v18 =	vadd.s32 s19, v10  }
0xa1: {  	s18 =	simm.s32 $0xA0;
	s19 =	smov.u32 s11;
	[tilespmem:v26+s15+$0x0] =	vst.idx.msk $0xffff, v19  }
.LBB2_4:
0xa2: {  	p0 =	sne.s32 s18, $0x4F60;
	[tilespmem:v15+s15+$0x0] =	vst.idx.msk $0xffff, v14;
	s19 =	sadd.s32 $0x3, s19;
	s17 =	sadd.s32 $0x10, s17  }
0xa3: {  	s20 =	smov.u32 s18;
	s18 =	sadd.s32 $0xA0, s18;
	[tilespmem:v17+s15+$0x0] =	vst.idx.msk $0xffff, v13  }
0xa4: {  	[tilespmem:v16+s15+$0x0] =	vst.idx.msk $0xffff, v11  }
0xa5: {  	[tilespmem:v18+s15+$0x0] =	vst.idx.msk $0xffff, v12  }
0xa6: {  	v11 =	vld [tilespmem:s17+$0x0];
	_ =	sdelay $0x3  }
0xa7: {  	v12 =	vmov s19  }
0xa8: {  	v13 =	vadd.s32 $0x1, v12;
	v14 =	vadd.s32 $0x2, v12;
	v11 =	vadd.s32 v1, v11  }
0xa9: {  	v11 =	vmul.u32 $0x3, v11;
	_ =	sdelay $0x1  }
0xaa: {  	v15 =	vadd.s32 $0x1, v11  }
0xab: {  	v16 =	vadd.s32 $0x2, v11;
	v19 =	vld.idx.msk [tilespmem:v12+s2+$0x0], $0xffff  }
0xac: {  	v14 =	vld.idx.msk [tilespmem:v14+s2+$0x0], $0xffff  }
0xad: {  	v20 =	vld.idx.msk [tilespmem:v13+s2+$0x0], $0xffff  }
0xae: {  	v13 =	vld.idx.msk [tilespmem:v11+s2+$0x0], $0xffff  }
0xaf: {  	v11 =	vld.idx.msk [tilespmem:v15+s2+$0x0], $0xffff  }
0xb0: {  	v12 =	vld.idx.msk [tilespmem:v16+s2+$0x0], $0xffff;
	_ =	sdelay $0x3  }
0xb1: {  	v16 =	vsub.f32 v19, v13  }
0xb2: {  	v18 =	vsub.f32 v20, v11  }
0xb3: {  	v21 =	vsub.f32 v14, v12;
	v15 =	vmul.f32 v16, v16  }
0xb4: {  	v17 =	vmul.f32 v18, v18  }
0xb5: {  	v22 =	vmul.f32 v21, v21  }
0xb6: {  	v15 =	vadd.f32 v17, v15;
	_ =	sdelay $0x1  }
0xb7: {  	v15 =	vadd.f32 v22, v15;
	_ =	sdelay $0x1  }
0xb8: {  	v17 =	vshra.s32 v15, $0x1;
	v22 =	vmul.f32 $5.000000000e-01, v15  }
0xb9: {  	v17 =	vsub.s32 $0x5F3759DF, v17  }
0xba: {  	v23 =	vmul.f32 v17, v22;
	_ =	sdelay $0x1  }
0xbb: {  	v23 =	vmul.f32 v17, v23;
	_ =	sdelay $0x1  }
0xbc: {  	v23 =	vsub.f32 $1.500000000e+00, v23;
	_ =	sdelay $0x1  }
0xbd: {  	v17 =	vmul.f32 v17, v23;
	_ =	sdelay $0x1  }
0xbe: {  	v23 =	vmul.f32 v17, v22;
	_ =	sdelay $0x1  }
0xbf: {  	v23 =	vmul.f32 v23, v17;
	_ =	sdelay $0x1  }
0xc0: {  	v23 =	vsub.f32 $1.500000000e+00, v23;
	_ =	sdelay $0x1  }
0xc1: {  	v17 =	vmul.f32 v23, v17;
	_ =	sdelay $0x1  }
0xc2: {  	v22 =	vmul.f32 v17, v22;
	_ =	sdelay $0x1  }
0xc3: {  	v22 =	vmul.f32 v22, v17;
	_ =	sdelay $0x1  }
0xc4: {  	v22 =	vsub.f32 $1.500000000e+00, v22  }
0xc5: {  	v23 =	vadd.s32 s20, v0  }
0xc6: {  	v17 =	vmul.f32 v22, v17;
	v22 =	vadd.s32 s20, v2  }
0xc7: {  	v24 =	vadd.s32 s20, v3  }
0xc8: {  	v25 =	vadd.s32 s20, v4;
	vm0 =	vgt.f32 v15, $0.0e+00;
	v15 =	vmul.f32 v17, v15  }
0xc9: {  	v26 =	vadd.s32 s20, v5  }
0xca: {  	v27 =	vadd.s32 s20, v6;
	v15 =	vnsel vm0, $0x0, v15  }
0xcb: {  	[tilespmem:v23+s15+$0x0] =	vst.idx.msk $0xffff, v15;
	v15 =	vadd.s32 s20, v7  }
.Ltmp1:
0xcc: {  	v17 =	vadd.s32 s20, v8;
	[tilespmem:v22+s15+$0x0] =	vst.idx.msk $0xffff, v16;
	(pc) =	sbr.rel @p0 .LBB2_4-.Ltmp1, $4  }
0xcd: {  	v16 =	vadd.s32 s20, v9;
	[tilespmem:v24+s15+$0x0] =	vst.idx.msk $0xffff, v18  }
0xce: {  	v18 =	vadd.s32 s20, v10;
	[tilespmem:v25+s15+$0x0] =	vst.idx.msk $0xffff, v21  }
0xcf: {  	[tilespmem:v26+s15+$0x0] =	vst.idx.msk $0xffff, v19  }
0xd0: {  	[tilespmem:v27+s15+$0x0] =	vst.idx.msk $0xffff, v20  }
0xd1: {  	_ =	sdelay $0x3  }
0xd2: {  	[tilespmem:v15+s15+$0x0] =	vst.idx.msk $0xffff, v14  }
0xd3: {  	[tilespmem:v17+s15+$0x0] =	vst.idx.msk $0xffff, v13  }
0xd4: {  	[tilespmem:v16+s15+$0x0] =	vst.idx.msk $0xffff, v11  }
0xd5: {  	s19 =	simm.s32 $0x0;
	[tilespmem:v18+s15+$0x0] =	vst.idx.msk $0xffff, v12  }
0xd6: {  	[hbm4b:s6+s19] =	stream.linear.scatter [tilespmem:s15], [sflag:$0x1], $0x5000, $0x38;
	[tilespmem:$0x13000] =	vst v63  }
0xd7: {  	_ =	swait.ge [sflag:s14], $0x5000  }
0xd8: {  	[sflag:s14] =	ssyncset.done $0x0  }
0xd9: {  	s17 =	simm.s32 $0xD000;
	[sflag:s14] =	ssyncadd.s32 $0xFFFFB000  }
0xda: {  	v11 =	vld [tilespmem:s17+$0x0];
	_ =	sdelay $0x4  }
0xdb: {  	v12 =	vmov s12;
	v11 =	vadd.s32 v1, v11  }
0xdc: {  	v13 =	vadd.s32 $0x1, v12;
	v11 =	vmul.u32 $0x3, v11;
	_ =	sdelay $0x1  }
0xdd: {  	v14 =	vadd.s32 $0x1, v11  }
0xde: {  	v15 =	vadd.s32 $0x2, v12  }
0xdf: {  	v17 =	vld.idx.msk [tilespmem:v12+s2+$0x0], $0xffff;
	v16 =	vadd.s32 $0x2, v11  }
0xe0: {  	v19 =	vld.idx.msk [tilespmem:v13+s2+$0x0], $0xffff  }
0xe1: {  	v13 =	vld.idx.msk [tilespmem:v11+s2+$0x0], $0xffff  }
0xe2: {  	v11 =	vld.idx.msk [tilespmem:v14+s2+$0x0], $0xffff  }
0xe3: {  	v14 =	vld.idx.msk [tilespmem:v15+s2+$0x0], $0xffff  }
0xe4: {  	v12 =	vld.idx.msk [tilespmem:v16+s2+$0x0], $0xffff;
	_ =	sdelay $0x2  }
0xe5: {  	v15 =	vsub.f32 v17, v13;
	v16 =	vsub.f32 v19, v11;
	_ =	sdelay $0x1  }
0xe6: {  	v18 =	vsub.f32 v14, v12;
	v20 =	vmul.f32 v15, v15;
	v21 =	vmul.f32 v16, v16;
	_ =	sdelay $0x1  }
0xe7: {  	v22 =	vmul.f32 v18, v18;
	v20 =	vadd.f32 v21, v20;
	_ =	sdelay $0x1  }
0xe8: {  	v20 =	vadd.f32 v22, v20;
	_ =	sdelay $0x1  }
0xe9: {  	v61 =	vshra.s32 v20, $0x1;
	v22 =	vmul.f32 $5.000000000e-01, v20  }
0xea: {  	v21 =	vsub.s32 $0x5F3759DF, v61  }
0xeb: {  	v23 =	vmul.f32 v21, v22;
	_ =	sdelay $0x1  }
0xec: {  	v23 =	vmul.f32 v21, v23;
	_ =	sdelay $0x1  }
0xed: {  	v23 =	vsub.f32 $1.500000000e+00, v23;
	_ =	sdelay $0x1  }
0xee: {  	v21 =	vmul.f32 v21, v23;
	_ =	sdelay $0x1  }
0xef: {  	v23 =	vmul.f32 v21, v22;
	_ =	sdelay $0x1  }
0xf0: {  	v23 =	vmul.f32 v23, v21;
	_ =	sdelay $0x1  }
0xf1: {  	v23 =	vsub.f32 $1.500000000e+00, v23;
	_ =	sdelay $0x1  }
0xf2: {  	v21 =	vmul.f32 v23, v21;
	_ =	sdelay $0x1  }
0xf3: {  	v22 =	vmul.f32 v21, v22;
	_ =	sdelay $0x1  }
0xf4: {  	v22 =	vmul.f32 v22, v21;
	_ =	sdelay $0x1  }
0xf5: {  	v22 =	vsub.f32 $1.500000000e+00, v22;
	_ =	sdelay $0x1  }
0xf6: {  	v62 =	vadd.s32 s19, v0;
	v21 =	vmul.f32 v22, v21  }
0xf7: {  	v63 =	vadd.s32 s19, v2  }
0xf8: {  	v24 =	vadd.s32 s19, v3;
	v21 =	vmul.f32 v21, v20  }
0xf9: {  	vm0 =	vgt.f32 v20, $0.0e+00;
	v20 =	vadd.s32 s19, v4  }
0xfa: {  	v25 =	vadd.s32 s19, v5;
	v21 =	vnsel vm0, $0x0, v21  }
0xfb: {  	[tilespmem:v62+s15+$0x0] =	vst.idx.msk $0xffff, v21  }
0xfc: {  	[tilespmem:v63+s15+$0x0] =	vst.idx.msk $0xffff, v15  }
0xfd: {  	v26 =	vadd.s32 s19, v6;
	[tilespmem:v24+s15+$0x0] =	vst.idx.msk $0xffff, v16  }
0xfe: {  	v15 =	vadd.s32 s19, v7;
	[tilespmem:v20+s15+$0x0] =	vst.idx.msk $0xffff, v18  }
0xff: {  	[tilespmem:v25+s15+$0x0] =	vst.idx.msk $0xffff, v17;
	v17 =	vadd.s32 s19, v8  }
0x100: {  	v16 =	vadd.s32 s19, v9  }
0x101: {  	v18 =	vadd.s32 s19, v10  }
0x102: {  	s18 =	simm.s32 $0xA0;
	s19 =	smov.u32 s12;
	[tilespmem:v26+s15+$0x0] =	vst.idx.msk $0xffff, v19  }
.LBB2_6:
0x103: {  	p0 =	sne.s32 s18, $0x4F60;
	[tilespmem:v15+s15+$0x0] =	vst.idx.msk $0xffff, v14;
	s19 =	sadd.s32 $0x3, s19;
	s17 =	sadd.s32 $0x10, s17  }
0x104: {  	s20 =	smov.u32 s18;
	s18 =	sadd.s32 $0xA0, s18;
	[tilespmem:v17+s15+$0x0] =	vst.idx.msk $0xffff, v13  }
0x105: {  	[tilespmem:v16+s15+$0x0] =	vst.idx.msk $0xffff, v11  }
0x106: {  	[tilespmem:v18+s15+$0x0] =	vst.idx.msk $0xffff, v12  }
0x107: {  	v11 =	vld [tilespmem:s17+$0x0];
	_ =	sdelay $0x3  }
0x108: {  	v12 =	vmov s19  }
0x109: {  	v13 =	vadd.s32 $0x1, v12;
	v14 =	vadd.s32 $0x2, v12;
	v11 =	vadd.s32 v1, v11  }
0x10a: {  	v11 =	vmul.u32 $0x3, v11;
	_ =	sdelay $0x1  }
0x10b: {  	v15 =	vadd.s32 $0x1, v11  }
0x10c: {  	v16 =	vadd.s32 $0x2, v11;
	v19 =	vld.idx.msk [tilespmem:v12+s2+$0x0], $0xffff  }
0x10d: {  	v14 =	vld.idx.msk [tilespmem:v14+s2+$0x0], $0xffff  }
0x10e: {  	v20 =	vld.idx.msk [tilespmem:v13+s2+$0x0], $0xffff  }
0x10f: {  	v13 =	vld.idx.msk [tilespmem:v11+s2+$0x0], $0xffff  }
0x110: {  	v11 =	vld.idx.msk [tilespmem:v15+s2+$0x0], $0xffff  }
0x111: {  	v12 =	vld.idx.msk [tilespmem:v16+s2+$0x0], $0xffff;
	_ =	sdelay $0x3  }
0x112: {  	v16 =	vsub.f32 v19, v13  }
0x113: {  	v18 =	vsub.f32 v20, v11  }
0x114: {  	v21 =	vsub.f32 v14, v12;
	v15 =	vmul.f32 v16, v16  }
0x115: {  	v17 =	vmul.f32 v18, v18  }
0x116: {  	v22 =	vmul.f32 v21, v21  }
0x117: {  	v15 =	vadd.f32 v17, v15;
	_ =	sdelay $0x1  }
0x118: {  	v15 =	vadd.f32 v22, v15;
	_ =	sdelay $0x1  }
0x119: {  	v17 =	vshra.s32 v15, $0x1;
	v22 =	vmul.f32 $5.000000000e-01, v15  }
0x11a: {  	v17 =	vsub.s32 $0x5F3759DF, v17  }
0x11b: {  	v23 =	vmul.f32 v17, v22;
	_ =	sdelay $0x1  }
0x11c: {  	v23 =	vmul.f32 v17, v23;
	_ =	sdelay $0x1  }
0x11d: {  	v23 =	vsub.f32 $1.500000000e+00, v23;
	_ =	sdelay $0x1  }
0x11e: {  	v17 =	vmul.f32 v17, v23;
	_ =	sdelay $0x1  }
0x11f: {  	v23 =	vmul.f32 v17, v22;
	_ =	sdelay $0x1  }
0x120: {  	v23 =	vmul.f32 v23, v17;
	_ =	sdelay $0x1  }
0x121: {  	v23 =	vsub.f32 $1.500000000e+00, v23;
	_ =	sdelay $0x1  }
0x122: {  	v17 =	vmul.f32 v23, v17;
	_ =	sdelay $0x1  }
0x123: {  	v22 =	vmul.f32 v17, v22;
	_ =	sdelay $0x1  }
0x124: {  	v22 =	vmul.f32 v22, v17;
	_ =	sdelay $0x1  }
0x125: {  	v22 =	vsub.f32 $1.500000000e+00, v22  }
0x126: {  	v23 =	vadd.s32 s20, v0  }
0x127: {  	v17 =	vmul.f32 v22, v17;
	v22 =	vadd.s32 s20, v2  }
0x128: {  	v24 =	vadd.s32 s20, v3  }
0x129: {  	v25 =	vadd.s32 s20, v4;
	vm0 =	vgt.f32 v15, $0.0e+00;
	v15 =	vmul.f32 v17, v15  }
0x12a: {  	v26 =	vadd.s32 s20, v5  }
0x12b: {  	v27 =	vadd.s32 s20, v6;
	v15 =	vnsel vm0, $0x0, v15  }
0x12c: {  	[tilespmem:v23+s15+$0x0] =	vst.idx.msk $0xffff, v15;
	v15 =	vadd.s32 s20, v7  }
.Ltmp2:
0x12d: {  	v17 =	vadd.s32 s20, v8;
	[tilespmem:v22+s15+$0x0] =	vst.idx.msk $0xffff, v16;
	(pc) =	sbr.rel @p0 .LBB2_6-.Ltmp2, $4  }
0x12e: {  	v16 =	vadd.s32 s20, v9;
	[tilespmem:v24+s15+$0x0] =	vst.idx.msk $0xffff, v18  }
0x12f: {  	v18 =	vadd.s32 s20, v10;
	[tilespmem:v25+s15+$0x0] =	vst.idx.msk $0xffff, v21  }
0x130: {  	[tilespmem:v26+s15+$0x0] =	vst.idx.msk $0xffff, v19  }
0x131: {  	[tilespmem:v27+s15+$0x0] =	vst.idx.msk $0xffff, v20  }
0x132: {  	_ =	sdelay $0x3  }
0x133: {  	[tilespmem:v15+s15+$0x0] =	vst.idx.msk $0xffff, v14  }
0x134: {  	[tilespmem:v17+s15+$0x0] =	vst.idx.msk $0xffff, v13  }
0x135: {  	[tilespmem:v16+s15+$0x0] =	vst.idx.msk $0xffff, v11  }
0x136: {  	s19 =	simm.s32 $0x0;
	[tilespmem:v18+s15+$0x0] =	vst.idx.msk $0xffff, v12  }
0x137: {  	[hbm4b:s7+s19] =	stream.linear.scatter [tilespmem:s15], [sflag:$0x1], $0x5000, $0x38;
	[tilespmem:$0x13000] =	vst v63  }
0x138: {  	_ =	swait.ge [sflag:s14], $0x5000  }
0x139: {  	[sflag:s14] =	ssyncset.done $0x0  }
0x13a: {  	s17 =	simm.s32 $0xD800;
	[sflag:s14] =	ssyncadd.s32 $0xFFFFB000  }
0x13b: {  	v11 =	vld [tilespmem:s17+$0x0];
	_ =	sdelay $0x4  }
0x13c: {  	v12 =	vmov s13;
	v11 =	vadd.s32 v1, v11  }
0x13d: {  	v13 =	vadd.s32 $0x1, v12;
	v11 =	vmul.u32 $0x3, v11;
	_ =	sdelay $0x1  }
0x13e: {  	v14 =	vadd.s32 $0x1, v11  }
0x13f: {  	v15 =	vadd.s32 $0x2, v12  }
0x140: {  	v17 =	vld.idx.msk [tilespmem:v12+s2+$0x0], $0xffff;
	v16 =	vadd.s32 $0x2, v11  }
0x141: {  	v19 =	vld.idx.msk [tilespmem:v13+s2+$0x0], $0xffff  }
0x142: {  	v13 =	vld.idx.msk [tilespmem:v11+s2+$0x0], $0xffff  }
0x143: {  	v11 =	vld.idx.msk [tilespmem:v14+s2+$0x0], $0xffff  }
0x144: {  	v14 =	vld.idx.msk [tilespmem:v15+s2+$0x0], $0xffff  }
0x145: {  	v12 =	vld.idx.msk [tilespmem:v16+s2+$0x0], $0xffff;
	_ =	sdelay $0x2  }
0x146: {  	v15 =	vsub.f32 v17, v13;
	v16 =	vsub.f32 v19, v11;
	_ =	sdelay $0x1  }
0x147: {  	v18 =	vsub.f32 v14, v12;
	v20 =	vmul.f32 v15, v15;
	v21 =	vmul.f32 v16, v16;
	_ =	sdelay $0x1  }
0x148: {  	v22 =	vmul.f32 v18, v18;
	v20 =	vadd.f32 v21, v20;
	_ =	sdelay $0x1  }
0x149: {  	v20 =	vadd.f32 v22, v20;
	_ =	sdelay $0x1  }
0x14a: {  	v61 =	vshra.s32 v20, $0x1;
	v22 =	vmul.f32 $5.000000000e-01, v20  }
0x14b: {  	v21 =	vsub.s32 $0x5F3759DF, v61  }
0x14c: {  	v23 =	vmul.f32 v21, v22;
	_ =	sdelay $0x1  }
0x14d: {  	v23 =	vmul.f32 v21, v23;
	_ =	sdelay $0x1  }
0x14e: {  	v23 =	vsub.f32 $1.500000000e+00, v23;
	_ =	sdelay $0x1  }
0x14f: {  	v21 =	vmul.f32 v21, v23;
	_ =	sdelay $0x1  }
0x150: {  	v23 =	vmul.f32 v21, v22;
	_ =	sdelay $0x1  }
0x151: {  	v23 =	vmul.f32 v23, v21;
	_ =	sdelay $0x1  }
0x152: {  	v23 =	vsub.f32 $1.500000000e+00, v23;
	_ =	sdelay $0x1  }
0x153: {  	v21 =	vmul.f32 v23, v21;
	_ =	sdelay $0x1  }
0x154: {  	v22 =	vmul.f32 v21, v22;
	_ =	sdelay $0x1  }
0x155: {  	v22 =	vmul.f32 v22, v21;
	_ =	sdelay $0x1  }
0x156: {  	v22 =	vsub.f32 $1.500000000e+00, v22;
	_ =	sdelay $0x1  }
0x157: {  	v62 =	vadd.s32 s19, v0;
	v21 =	vmul.f32 v22, v21  }
0x158: {  	v63 =	vadd.s32 s19, v2  }
0x159: {  	v24 =	vadd.s32 s19, v3;
	v21 =	vmul.f32 v21, v20  }
0x15a: {  	vm0 =	vgt.f32 v20, $0.0e+00;
	v20 =	vadd.s32 s19, v4  }
0x15b: {  	v25 =	vadd.s32 s19, v5;
	v21 =	vnsel vm0, $0x0, v21  }
0x15c: {  	[tilespmem:v62+s15+$0x0] =	vst.idx.msk $0xffff, v21  }
0x15d: {  	[tilespmem:v63+s15+$0x0] =	vst.idx.msk $0xffff, v15  }
0x15e: {  	v26 =	vadd.s32 s19, v6;
	[tilespmem:v24+s15+$0x0] =	vst.idx.msk $0xffff, v16  }
0x15f: {  	v15 =	vadd.s32 s19, v7;
	[tilespmem:v20+s15+$0x0] =	vst.idx.msk $0xffff, v18  }
0x160: {  	[tilespmem:v25+s15+$0x0] =	vst.idx.msk $0xffff, v17;
	v17 =	vadd.s32 s19, v8  }
0x161: {  	v16 =	vadd.s32 s19, v9  }
0x162: {  	v18 =	vadd.s32 s19, v10  }
0x163: {  	s18 =	simm.s32 $0xA0;
	s19 =	smov.u32 s13;
	[tilespmem:v26+s15+$0x0] =	vst.idx.msk $0xffff, v19  }
.LBB2_8:
0x164: {  	p0 =	sne.s32 s18, $0x4F60;
	[tilespmem:v15+s15+$0x0] =	vst.idx.msk $0xffff, v14;
	s19 =	sadd.s32 $0x3, s19;
	s17 =	sadd.s32 $0x10, s17  }
0x165: {  	s20 =	smov.u32 s18;
	s18 =	sadd.s32 $0xA0, s18;
	[tilespmem:v17+s15+$0x0] =	vst.idx.msk $0xffff, v13  }
0x166: {  	[tilespmem:v16+s15+$0x0] =	vst.idx.msk $0xffff, v11  }
0x167: {  	[tilespmem:v18+s15+$0x0] =	vst.idx.msk $0xffff, v12  }
0x168: {  	v11 =	vld [tilespmem:s17+$0x0];
	_ =	sdelay $0x3  }
0x169: {  	v12 =	vmov s19  }
0x16a: {  	v13 =	vadd.s32 $0x1, v12;
	v14 =	vadd.s32 $0x2, v12;
	v11 =	vadd.s32 v1, v11  }
0x16b: {  	v11 =	vmul.u32 $0x3, v11;
	_ =	sdelay $0x1  }
0x16c: {  	v15 =	vadd.s32 $0x1, v11  }
0x16d: {  	v16 =	vadd.s32 $0x2, v11;
	v19 =	vld.idx.msk [tilespmem:v12+s2+$0x0], $0xffff  }
0x16e: {  	v14 =	vld.idx.msk [tilespmem:v14+s2+$0x0], $0xffff  }
0x16f: {  	v20 =	vld.idx.msk [tilespmem:v13+s2+$0x0], $0xffff  }
0x170: {  	v13 =	vld.idx.msk [tilespmem:v11+s2+$0x0], $0xffff  }
0x171: {  	v11 =	vld.idx.msk [tilespmem:v15+s2+$0x0], $0xffff  }
0x172: {  	v12 =	vld.idx.msk [tilespmem:v16+s2+$0x0], $0xffff;
	_ =	sdelay $0x3  }
0x173: {  	v16 =	vsub.f32 v19, v13  }
0x174: {  	v18 =	vsub.f32 v20, v11  }
0x175: {  	v21 =	vsub.f32 v14, v12;
	v15 =	vmul.f32 v16, v16  }
0x176: {  	v17 =	vmul.f32 v18, v18  }
0x177: {  	v22 =	vmul.f32 v21, v21  }
0x178: {  	v15 =	vadd.f32 v17, v15;
	_ =	sdelay $0x1  }
0x179: {  	v15 =	vadd.f32 v22, v15;
	_ =	sdelay $0x1  }
0x17a: {  	v17 =	vshra.s32 v15, $0x1;
	v22 =	vmul.f32 $5.000000000e-01, v15  }
0x17b: {  	v17 =	vsub.s32 $0x5F3759DF, v17  }
0x17c: {  	v23 =	vmul.f32 v17, v22;
	_ =	sdelay $0x1  }
0x17d: {  	v23 =	vmul.f32 v17, v23;
	_ =	sdelay $0x1  }
0x17e: {  	v23 =	vsub.f32 $1.500000000e+00, v23;
	_ =	sdelay $0x1  }
0x17f: {  	v17 =	vmul.f32 v17, v23;
	_ =	sdelay $0x1  }
0x180: {  	v23 =	vmul.f32 v17, v22;
	_ =	sdelay $0x1  }
0x181: {  	v23 =	vmul.f32 v23, v17;
	_ =	sdelay $0x1  }
0x182: {  	v23 =	vsub.f32 $1.500000000e+00, v23;
	_ =	sdelay $0x1  }
0x183: {  	v17 =	vmul.f32 v23, v17;
	_ =	sdelay $0x1  }
0x184: {  	v22 =	vmul.f32 v17, v22;
	_ =	sdelay $0x1  }
0x185: {  	v22 =	vmul.f32 v22, v17;
	_ =	sdelay $0x1  }
0x186: {  	v22 =	vsub.f32 $1.500000000e+00, v22  }
0x187: {  	v23 =	vadd.s32 s20, v0  }
0x188: {  	v17 =	vmul.f32 v22, v17;
	v22 =	vadd.s32 s20, v2  }
0x189: {  	v24 =	vadd.s32 s20, v3  }
0x18a: {  	v25 =	vadd.s32 s20, v4;
	vm0 =	vgt.f32 v15, $0.0e+00;
	v15 =	vmul.f32 v17, v15  }
0x18b: {  	v26 =	vadd.s32 s20, v5  }
0x18c: {  	v27 =	vadd.s32 s20, v6;
	v15 =	vnsel vm0, $0x0, v15  }
0x18d: {  	[tilespmem:v23+s15+$0x0] =	vst.idx.msk $0xffff, v15;
	v15 =	vadd.s32 s20, v7  }
.Ltmp3:
0x18e: {  	v17 =	vadd.s32 s20, v8;
	[tilespmem:v22+s15+$0x0] =	vst.idx.msk $0xffff, v16;
	(pc) =	sbr.rel @p0 .LBB2_8-.Ltmp3, $4  }
0x18f: {  	v16 =	vadd.s32 s20, v9;
	[tilespmem:v24+s15+$0x0] =	vst.idx.msk $0xffff, v18  }
0x190: {  	v18 =	vadd.s32 s20, v10;
	[tilespmem:v25+s15+$0x0] =	vst.idx.msk $0xffff, v21  }
0x191: {  	[tilespmem:v26+s15+$0x0] =	vst.idx.msk $0xffff, v19  }
0x192: {  	[tilespmem:v27+s15+$0x0] =	vst.idx.msk $0xffff, v20  }
0x193: {  	_ =	sdelay $0x3  }
0x194: {  	[tilespmem:v15+s15+$0x0] =	vst.idx.msk $0xffff, v14  }
0x195: {  	s16 =	sadd.s32 $0x1, s16;
	[tilespmem:v17+s15+$0x0] =	vst.idx.msk $0xffff, v13  }
0x196: {  	p0 =	sne.s32 s16, s9;
	[tilespmem:v16+s15+$0x0] =	vst.idx.msk $0xffff, v11  }
.Ltmp4:
0x197: {  	[tilespmem:v18+s15+$0x0] =	vst.idx.msk $0xffff, v12;
	(pc) =	sbr.rel @p0 .LBB2_1-.Ltmp4, $4  }
0x198: {  	[hbm4b:s8+s2] =	stream.linear.scatter [tilespmem:s15], [sflag:$0x1], $0x5000, $0x38;
	[tilespmem:$0x13000] =	vst v63  }
0x199: {  	_ =	swait.ge [sflag:s14], $0x5000  }
0x19a: {  	[sflag:s14] =	ssyncset.done $0x0  }
0x19b: {  	[sflag:s14] =	ssyncadd.s32 $0xFFFFB000  }
0x19c: {  	_ =	sfence.sel $0x180000  }
0x19d: {  	[bflag:$0x0] =	sbarrier.arrive $0xFFFF  }
0x19e: {  	p0 =	sne.s32 s1, $0x0;
	_ =	strace $0x90000047  }
0x19f: {  	s0 =	sadd.s32 @!p0 $0x100000, s0;
	[bflag:$0x2] =	sbarrier.arrive $0xFFFF  }
0x1a0: {  	[sflag:s0] =	ssyncadd.tile.s32 @!p0 $0x1;
	_ =	shalt  }
.Lfunc_end2:
_tile_overlayer_lowered:
.L_overlay_start_2:
0x1a1: {  	(tag) =	ssettag $0x2  }
0x1a2: {  	s0 =	rddreg [dreg:$0x0];
	s2 =	stileid.u32  }
0x1a3: {  	s1 =	rddreg [dreg:$0x1];
	p0 =	sne.s32 s2, $0x0  }
0x1a4: {  	s3 =	rddreg [dreg:$0x2];
	[bflag:$0x3] =	sbarrier.arrive $0xFFFF;
	s2 =	simm.s32 @!p0 $0x1C01  }
0x1a5: {  	[timem:s3], [sflag:s2] =	dma.local @!p0 [hbm:s0], s1  }
0x1a6: {  	s0 =	simm.s32 @!p0 $0x1  }
0x1a7: {  	_ =	swait.ge @!p0 [sflag:s0], s1  }
0x1a8: {  	s1 =	ssub.s32 @!p0 $0x0, s1;
	[sflag:s0] =	ssyncset.done @!p0 $0x0  }
0x1a9: {  	[sflag:s0] =	ssyncadd.s32 @!p0 s1  }
0x1aa: {  	[bflag:$0x3] =	sbarrier.arrive $0xFFFF  }
0x1ab: {  	_ =	shalt  }

</sc_bundles>
